<compile_context>
chip_gen: v7x
topology: tpu7x:2x2x1
jax: 0.10.2.dev20260603
libtpu: 0.0.44.dev20260713+nightly
codegen_flags: <defaults>
</compile_context>

<pallas_src>
import functools

import jax
import jax.numpy as jnp
from jax import lax
from jax.experimental import pallas as pl
from jax.experimental.pallas import tpu as pltpu
from jax.experimental.pallas import tpu_sc as plsc

B = 16384
NUM_CORES = 1
NUM_SUBCORES = 16
NUM_WORKERS = NUM_CORES * NUM_SUBCORES
BPW = B // NUM_WORKERS
D = 32
NU = 1000000
NA = 100000
BN = 65536
NU_PAD = 16 * BN
BNA = 7168
NA_PAD = 14 * BNA
INV_B = 1.0 / B



def _mv_body(w_ref, xu_ref, xa_ref, ou_ref, oa_ref):
    w = w_ref[...]
    wu = w[:, 0:D]
    wa = w[:, D:2 * D]
    dn = (((1,), (0,)), ((), ()))
    ou_ref[...] = jax.lax.dot_general(
        wu, xu_ref[...], dn, preferred_element_type=jnp.float32)[0]
    oa_ref[...] = jax.lax.dot_general(
        wa, xa_ref[...], dn, preferred_element_type=jnp.float32)[0]


def _matvec2(ut, at, wb):
    return pl.pallas_call(
        _mv_body,
        grid=(16,),
        in_specs=[
            pl.BlockSpec((1, 128), lambda i: (0, 0)),
            pl.BlockSpec((D, BN), lambda i: (0, i)),
            pl.BlockSpec((D, BNA), lambda i: (0, jnp.minimum(i, 13))),
        ],
        out_specs=(
            pl.BlockSpec((BN,), lambda i: (i,)),
            pl.BlockSpec((BNA,), lambda i: (jnp.minimum(i, 13),)),
        ),
        out_shape=(
            jax.ShapeDtypeStruct((NU_PAD,), jnp.float32),
            jax.ShapeDtypeStruct((NA_PAD,), jnp.float32),
        ),
    )(wb, ut, at)



_mesh = plsc.VectorSubcoreMesh(core_axis_name="c", subcore_axis_name="s",
                               num_cores=NUM_CORES)


def _sc_body(pu_ref, pa_ref, users_ref, articles_ref, ratings_ref, wb_ref,
             out_ref, lp_ref,
             uidx_v, aidx_v, rat_v, puv, pav, out_v, wb_v, part_v, all_v,
             shared_v, usem, asem):
    c = lax.axis_index("c")
    s = lax.axis_index("s")
    wid = s * NUM_CORES + c
    base = pl.multiple_of(wid * BPW, BPW)

    ins = [
        pltpu.async_copy(users_ref.at[pl.ds(base, BPW)], uidx_v, usem),
        pltpu.async_copy(articles_ref.at[pl.ds(base, BPW)], aidx_v, asem),
        pltpu.async_copy(ratings_ref.at[pl.ds(base, BPW)], rat_v, usem),
        pltpu.async_copy(wb_ref, wb_v, asem),
    ]
    for cp in ins:
        cp.wait()

    cps = []
    for j in range(BPW // 128):
        cps.append(pltpu.async_copy(pu_ref.at[uidx_v.at[pl.ds(j * 128, 128)]],
                                    puv.at[pl.ds(j * 128, 128)], usem))
        cps.append(pltpu.async_copy(pa_ref.at[aidx_v.at[pl.ds(j * 128, 128)]],
                                    pav.at[pl.ds(j * 128, 128)], asem))
    for cp in cps:
        cp.wait()

    bias = wb_v[0, pl.ds(64, 16)][0]
    lane = lax.iota(jnp.int32, 16)

    def group(g, lacc):
        off = pl.multiple_of(g * 16, 16)
        acc = puv[pl.ds(off, 16)] + pav[pl.ds(off, 16)] + bias
        out_v[pl.ds(off, 16)] = acc
        diff = acc - rat_v[pl.ds(off, 16)]
        return lacc + diff * diff

    lacc = lax.fori_loop(0, BPW // 16, group, jnp.zeros((16,), jnp.float32))

    pltpu.sync_copy(out_v, out_ref.at[pl.ds(base, BPW)])

    part_v[pl.ds(0, 16)] = lacc * INV_B
    pltpu.sync_copy(part_v, shared_v.at[s])
    plsc.subcore_barrier()

    @pl.when(s == 0)
    def _():
        pltpu.sync_copy(shared_v, all_v)

        def fold(i, acc):
            return acc + all_v[i, pl.ds(0, 16)]

        acc = lax.fori_loop(1, NUM_SUBCORES, fold, all_v[0, pl.ds(0, 16)])
        total = jnp.sum(acc)
        part_v[pl.ds(0, 16)] = jnp.where(
            lane == 0, jnp.full((16,), total, jnp.float32),
            jnp.zeros((16,), jnp.float32))
        pltpu.sync_copy(part_v, lp_ref.at[c])


_sc_call = pl.kernel(
    _sc_body,
    out_type=(
        jax.ShapeDtypeStruct((B,), jnp.float32),
        jax.ShapeDtypeStruct((NUM_CORES, 128), jnp.float32),
    ),
    mesh=_mesh,
    compiler_params=pltpu.CompilerParams(needs_layout_passes=False),
    scratch_types=[
        pltpu.VMEM((BPW,), jnp.int32),
        pltpu.VMEM((BPW,), jnp.int32),
        pltpu.VMEM((BPW,), jnp.float32),
        pltpu.VMEM((BPW,), jnp.float32),
        pltpu.VMEM((BPW,), jnp.float32),
        pltpu.VMEM((BPW,), jnp.float32),
        pltpu.VMEM((1, 128), jnp.float32),
        pltpu.VMEM((128,), jnp.float32),
        pltpu.VMEM((16, 128), jnp.float32),
        pltpu.VMEM_SHARED((16, 128), jnp.float32),
        pltpu.SemaphoreType.DMA,
        pltpu.SemaphoreType.DMA,
    ],
)


def kernel(users, articles, ratings, user_table, article_table, fc_w, fc_b):
    users_r = users.astype(jnp.int32)
    articles_r = articles.astype(jnp.int32)
    wb = jnp.concatenate([fc_w.reshape(-1), fc_b.reshape(-1),
                          jnp.zeros(128 - 2 * D - 1, jnp.float32)])
    wb2 = wb.reshape(1, 128)
    pu, pa = _matvec2(user_table.T, article_table.T, wb2)
    out_r, lp = _sc_call(pu, pa, users_r, articles_r, ratings, wb2)
    output = out_r.reshape(B, 1)
    loss = lp[0, 0] if NUM_CORES == 1 else lp[0, 0] + lp[1, 0]
    return (output, loss)

# --- scband reference (transcript-rebuilt; emitter-appended) ---
"""Pipeline reference for scband-recommendation-model-12824772346084 (READ-ONLY COPY).

The authoritative reference and input builder live on the scoring server;
editing this copy changes nothing except your own understanding.
"""

import jax, jax.numpy as jnp
import numpy as np

NUM_USERS = 1000000
NUM_ARTICLES = 100000
EMBED_DIM = 32
BATCH = 16384

def setup_inputs(seed: int = 0) -> dict:
    key = jax.random.key(seed)
    k1, k2, k3, k4, k5, k6, k7 = jax.random.split(key, 7)
    users = jax.random.randint(k1, (BATCH,), 0, NUM_USERS, dtype=jnp.int64) if jax.config.jax_enable_x64 else jax.random.randint(k1, (BATCH,), 0, NUM_USERS).astype(jnp.int32)
    articles = jax.random.randint(k2, (BATCH,), 0, NUM_ARTICLES).astype(users.dtype)
    ratings = jax.random.uniform(k3, (BATCH,), dtype=jnp.float32)
    user_table = jax.random.normal(k4, (NUM_USERS, EMBED_DIM), dtype=jnp.float32)
    article_table = jax.random.normal(k5, (NUM_ARTICLES, EMBED_DIM), dtype=jnp.float32)
    bound = 1.0 / np.sqrt(EMBED_DIM * 2)
    fc_w = jax.random.uniform(k6, (1, EMBED_DIM * 2), minval=-bound, maxval=bound, dtype=jnp.float32)
    fc_b = jax.random.uniform(k7, (1,), minval=-bound, maxval=bound, dtype=jnp.float32)
    return {"users": users, "articles": articles, "ratings": ratings,
            "user_table": user_table, "article_table": article_table,
            "fc_w": fc_w, "fc_b": fc_b}

def reference(users, articles, ratings, user_table, article_table, fc_w, fc_b):
    user_embeds = jnp.take(user_table, users, axis=0)
    article_embeds = jnp.take(article_table, articles, axis=0)
    x = jnp.concatenate([user_embeds, article_embeds], axis=1)
    output = x @ fc_w.T + fc_b
    target = ratings[:, None].astype(jnp.float32)
    loss = jnp.mean((output - target) ** 2)
    return (output, loss)

if __name__ == "__main__":
    import jax
    _d = setup_inputs()
    print(jax.jit(kernel)(*tuple(_d.values())))

</pallas_src>

<mosaic_0001>
#map = affine_map<(d0, d1) -> (0)>
#map1 = affine_map<(d0, d1) -> (0, 0)>
module attributes {stable_mosaic.version = 14 : i64} {
  func.func @_sc_body(%arg0: i32, %arg1: i32, %arg2: memref<1048576xf32, #tpu.memory_space<hbm>>, %arg3: memref<100352xf32, #tpu.memory_space<hbm>>, %arg4: memref<16384xi32, #tpu.memory_space<hbm>>, %arg5: memref<16384xi32, #tpu.memory_space<hbm>>, %arg6: memref<16384xf32, #tpu.memory_space<hbm>>, %arg7: memref<1x128xf32, #tpu.memory_space<hbm>>, %arg8: memref<16384xf32, #tpu.memory_space<hbm>>, %arg9: memref<1x128xf32, #tpu.memory_space<hbm>>, %arg10: memref<1024xi32, #tpu.memory_space<vmem>>, %arg11: memref<1024xi32, #tpu.memory_space<vmem>>, %arg12: memref<1024xf32, #tpu.memory_space<vmem>>, %arg13: memref<1024xf32, #tpu.memory_space<vmem>>, %arg14: memref<1024xf32, #tpu.memory_space<vmem>>, %arg15: memref<1024xf32, #tpu.memory_space<vmem>>, %arg16: memref<1x128xf32, #tpu.memory_space<vmem>>, %arg17: memref<128xf32, #tpu.memory_space<vmem>>, %arg18: memref<16x128xf32, #tpu.memory_space<vmem>>, %arg19: memref<16x128xf32, #tpu.memory_space<vmem_shared>>, %arg20: memref<!tpu.dma_semaphore, #tpu.memory_space<semaphore_mem>>, %arg21: memref<!tpu.dma_semaphore, #tpu.memory_space<semaphore_mem>>) attributes {dimension_semantics = [#tpu.dimension_semantics<core_parallel>, #tpu.dimension_semantics<subcore_parallel>], iteration_bounds = array<i64: 1, 16>, scalar_prefetch = 0 : i64, scratch_operands = 12 : i64, tpu.core_type = #tpu.core_type<sc_vector_subcore>, window_params = [{transform_indices = #map}, {transform_indices = #map}, {transform_indices = #map}, {transform_indices = #map}, {transform_indices = #map}, {transform_indices = #map1}, {transform_indices = #map}, {transform_indices = #map1}]} {
    %mul3A = arith.constant 1 : i32
    %mul3A_0 = arith.muli %arg1, %mul3A : i32
    %add3A = arith.addi %mul3A_0, %arg0 : i32
    %mul3A_1 = arith.constant 1024 : i32
    %mul3A_2 = arith.muli %add3A, %mul3A_1 : i32
    %multiple_of3A = tpu.assume_multiple %mul3A_2, 1024 : i32
    %dma_start3A = tpu.memref_slice %arg4[%multiple_of3A] : memref<16384xi32, #tpu.memory_space<hbm>> -> memref<1024xi32, #tpu.memory_space<hbm>>
    %dma_start3A_3 = tpu.memref_slice %arg4[%multiple_of3A] : memref<16384xi32, #tpu.memory_space<hbm>> -> memref<1024xi32, #tpu.memory_space<hbm>>
    tpu.enqueue_dma source(%dma_start3A_3 : memref<1024xi32, #tpu.memory_space<hbm>>) target(%arg10 : memref<1024xi32, #tpu.memory_space<vmem>>) target_semaphore(%arg20 : memref<!tpu.dma_semaphore, #tpu.memory_space<semaphore_mem>>)
    %dma_start3A_4 = tpu.memref_slice %arg5[%multiple_of3A] : memref<16384xi32, #tpu.memory_space<hbm>> -> memref<1024xi32, #tpu.memory_space<hbm>>
    %dma_start3A_5 = tpu.memref_slice %arg5[%multiple_of3A] : memref<16384xi32, #tpu.memory_space<hbm>> -> memref<1024xi32, #tpu.memory_space<hbm>>
    tpu.enqueue_dma source(%dma_start3A_5 : memref<1024xi32, #tpu.memory_space<hbm>>) target(%arg11 : memref<1024xi32, #tpu.memory_space<vmem>>) target_semaphore(%arg21 : memref<!tpu.dma_semaphore, #tpu.memory_space<semaphore_mem>>)
    %dma_start3A_6 = tpu.memref_slice %arg6[%multiple_of3A] : memref<16384xf32, #tpu.memory_space<hbm>> -> memref<1024xf32, #tpu.memory_space<hbm>>
    %dma_start3A_7 = tpu.memref_slice %arg6[%multiple_of3A] : memref<16384xf32, #tpu.memory_space<hbm>> -> memref<1024xf32, #tpu.memory_space<hbm>>
    tpu.enqueue_dma source(%dma_start3A_7 : memref<1024xf32, #tpu.memory_space<hbm>>) target(%arg12 : memref<1024xf32, #tpu.memory_space<vmem>>) target_semaphore(%arg20 : memref<!tpu.dma_semaphore, #tpu.memory_space<semaphore_mem>>)
    tpu.enqueue_dma source(%arg7 : memref<1x128xf32, #tpu.memory_space<hbm>>) target(%arg16 : memref<1x128xf32, #tpu.memory_space<vmem>>) target_semaphore(%arg21 : memref<!tpu.dma_semaphore, #tpu.memory_space<semaphore_mem>>)
    %dma_wait3A = tpu.memref_slice %arg4[%multiple_of3A] : memref<16384xi32, #tpu.memory_space<hbm>> -> memref<1024xi32, #tpu.memory_space<hbm>>
    %dma_wait3A_8 = tpu.memref_slice %arg4[%multiple_of3A] : memref<16384xi32, #tpu.memory_space<hbm>> -> memref<1024xi32, #tpu.memory_space<hbm>>
    tpu.wait_dma2 semaphore(%arg20 : memref<!tpu.dma_semaphore, #tpu.memory_space<semaphore_mem>>) src(%dma_wait3A_8 : memref<1024xi32, #tpu.memory_space<hbm>>) dst(%arg10 : memref<1024xi32, #tpu.memory_space<vmem>>)
    %dma_wait3A_9 = tpu.memref_slice %arg5[%multiple_of3A] : memref<16384xi32, #tpu.memory_space<hbm>> -> memref<1024xi32, #tpu.memory_space<hbm>>
    %dma_wait3A_10 = tpu.memref_slice %arg5[%multiple_of3A] : memref<16384xi32, #tpu.memory_space<hbm>> -> memref<1024xi32, #tpu.memory_space<hbm>>
    tpu.wait_dma2 semaphore(%arg21 : memref<!tpu.dma_semaphore, #tpu.memory_space<semaphore_mem>>) src(%dma_wait3A_10 : memref<1024xi32, #tpu.memory_space<hbm>>) dst(%arg11 : memref<1024xi32, #tpu.memory_space<vmem>>)
    %dma_wait3A_11 = tpu.memref_slice %arg6[%multiple_of3A] : memref<16384xf32, #tpu.memory_space<hbm>> -> memref<1024xf32, #tpu.memory_space<hbm>>
    %dma_wait3A_12 = tpu.memref_slice %arg6[%multiple_of3A] : memref<16384xf32, #tpu.memory_space<hbm>> -> memref<1024xf32, #tpu.memory_space<hbm>>
    tpu.wait_dma2 semaphore(%arg20 : memref<!tpu.dma_semaphore, #tpu.memory_space<semaphore_mem>>) src(%dma_wait3A_12 : memref<1024xf32, #tpu.memory_space<hbm>>) dst(%arg12 : memref<1024xf32, #tpu.memory_space<vmem>>)
    tpu.wait_dma2 semaphore(%arg21 : memref<!tpu.dma_semaphore, #tpu.memory_space<semaphore_mem>>) src(%arg7 : memref<1x128xf32, #tpu.memory_space<hbm>>) dst(%arg16 : memref<1x128xf32, #tpu.memory_space<vmem>>)
    %dma_start3A_13 = arith.constant 0 : i32
    %dma_start3A_14 = tpu.memref_slice %arg13[%dma_start3A_13] : memref<1024xf32, #tpu.memory_space<vmem>> -> memref<128xf32, #tpu.memory_space<vmem>>
    %dma_start3A_15 = arith.constant 0 : i32
    %dma_start3A_16 = tpu.memref_slice %arg10[%dma_start3A_15] : memref<1024xi32, #tpu.memory_space<vmem>> -> memref<128xi32, #tpu.memory_space<vmem>>
    %dma_start3A_17 = arith.constant 0 : i32
    %dma_start3A_18 = tpu.memref_slice %arg2[%dma_start3A_17] : memref<1048576xf32, #tpu.memory_space<hbm>> -> memref<1048576xf32, #tpu.memory_space<hbm>>
    tpu.enqueue_indirect_dma source(%dma_start3A_18 : memref<1048576xf32, #tpu.memory_space<hbm>>) target(%dma_start3A_14 : memref<128xf32, #tpu.memory_space<vmem>>) offsets(%dma_start3A_16 : memref<128xi32, #tpu.memory_space<vmem>>) semaphore(%arg20 : memref<!tpu.dma_semaphore, #tpu.memory_space<semaphore_mem>>)
    %dma_start3A_19 = arith.constant 0 : i32
    %dma_start3A_20 = tpu.memref_slice %arg14[%dma_start3A_19] : memref<1024xf32, #tpu.memory_space<vmem>> -> memref<128xf32, #tpu.memory_space<vmem>>
    %dma_start3A_21 = arith.constant 0 : i32
    %dma_start3A_22 = tpu.memref_slice %arg11[%dma_start3A_21] : memref<1024xi32, #tpu.memory_space<vmem>> -> memref<128xi32, #tpu.memory_space<vmem>>
    %dma_start3A_23 = arith.constant 0 : i32
    %dma_start3A_24 = tpu.memref_slice %arg3[%dma_start3A_23] : memref<100352xf32, #tpu.memory_space<hbm>> -> memref<100352xf32, #tpu.memory_space<hbm>>
    tpu.enqueue_indirect_dma source(%dma_start3A_24 : memref<100352xf32, #tpu.memory_space<hbm>>) target(%dma_start3A_20 : memref<128xf32, #tpu.memory_space<vmem>>) offsets(%dma_start3A_22 : memref<128xi32, #tpu.memory_space<vmem>>) semaphore(%arg21 : memref<!tpu.dma_semaphore, #tpu.memory_space<semaphore_mem>>)
    %dma_start3A_25 = arith.constant 128 : i32
    %dma_start3A_26 = tpu.memref_slice %arg13[%dma_start3A_25] : memref<1024xf32, #tpu.memory_space<vmem>> -> memref<128xf32, #tpu.memory_space<vmem>>
    %dma_start3A_27 = arith.constant 128 : i32
    %dma_start3A_28 = tpu.memref_slice %arg10[%dma_start3A_27] : memref<1024xi32, #tpu.memory_space<vmem>> -> memref<128xi32, #tpu.memory_space<vmem>>
    %dma_start3A_29 = arith.constant 0 : i32
    %dma_start3A_30 = tpu.memref_slice %arg2[%dma_start3A_29] : memref<1048576xf32, #tpu.memory_space<hbm>> -> memref<1048576xf32, #tpu.memory_space<hbm>>
    tpu.enqueue_indirect_dma source(%dma_start3A_30 : memref<1048576xf32, #tpu.memory_space<hbm>>) target(%dma_start3A_26 : memref<128xf32, #tpu.memory_space<vmem>>) offsets(%dma_start3A_28 : memref<128xi32, #tpu.memory_space<vmem>>) semaphore(%arg20 : memref<!tpu.dma_semaphore, #tpu.memory_space<semaphore_mem>>)
    %dma_start3A_31 = arith.constant 128 : i32
    %dma_start3A_32 = tpu.memref_slice %arg14[%dma_start3A_31] : memref<1024xf32, #tpu.memory_space<vmem>> -> memref<128xf32, #tpu.memory_space<vmem>>
    %dma_start3A_33 = arith.constant 128 : i32
    %dma_start3A_34 = tpu.memref_slice %arg11[%dma_start3A_33] : memref<1024xi32, #tpu.memory_space<vmem>> -> memref<128xi32, #tpu.memory_space<vmem>>
    %dma_start3A_35 = arith.constant 0 : i32
    %dma_start3A_36 = tpu.memref_slice %arg3[%dma_start3A_35] : memref<100352xf32, #tpu.memory_space<hbm>> -> memref<100352xf32, #tpu.memory_space<hbm>>
    tpu.enqueue_indirect_dma source(%dma_start3A_36 : memref<100352xf32, #tpu.memory_space<hbm>>) target(%dma_start3A_32 : memref<128xf32, #tpu.memory_space<vmem>>) offsets(%dma_start3A_34 : memref<128xi32, #tpu.memory_space<vmem>>) semaphore(%arg21 : memref<!tpu.dma_semaphore, #tpu.memory_space<semaphore_mem>>)
    %dma_start3A_37 = arith.constant 256 : i32
    %dma_start3A_38 = tpu.memref_slice %arg13[%dma_start3A_37] : memref<1024xf32, #tpu.memory_space<vmem>> -> memref<128xf32, #tpu.memory_space<vmem>>
    %dma_start3A_39 = arith.constant 256 : i32
    %dma_start3A_40 = tpu.memref_slice %arg10[%dma_start3A_39] : memref<1024xi32, #tpu.memory_space<vmem>> -> memref<128xi32, #tpu.memory_space<vmem>>
    %dma_start3A_41 = arith.constant 0 : i32
    %dma_start3A_42 = tpu.memref_slice %arg2[%dma_start3A_41] : memref<1048576xf32, #tpu.memory_space<hbm>> -> memref<1048576xf32, #tpu.memory_space<hbm>>
    tpu.enqueue_indirect_dma source(%dma_start3A_42 : memref<1048576xf32, #tpu.memory_space<hbm>>) target(%dma_start3A_38 : memref<128xf32, #tpu.memory_space<vmem>>) offsets(%dma_start3A_40 : memref<128xi32, #tpu.memory_space<vmem>>) semaphore(%arg20 : memref<!tpu.dma_semaphore, #tpu.memory_space<semaphore_mem>>)
    %dma_start3A_43 = arith.constant 256 : i32
    %dma_start3A_44 = tpu.memref_slice %arg14[%dma_start3A_43] : memref<1024xf32, #tpu.memory_space<vmem>> -> memref<128xf32, #tpu.memory_space<vmem>>
    %dma_start3A_45 = arith.constant 256 : i32
    %dma_start3A_46 = tpu.memref_slice %arg11[%dma_start3A_45] : memref<1024xi32, #tpu.memory_space<vmem>> -> memref<128xi32, #tpu.memory_space<vmem>>
    %dma_start3A_47 = arith.constant 0 : i32
    %dma_start3A_48 = tpu.memref_slice %arg3[%dma_start3A_47] : memref<100352xf32, #tpu.memory_space<hbm>> -> memref<100352xf32, #tpu.memory_space<hbm>>
    tpu.enqueue_indirect_dma source(%dma_start3A_48 : memref<100352xf32, #tpu.memory_space<hbm>>) target(%dma_start3A_44 : memref<128xf32, #tpu.memory_space<vmem>>) offsets(%dma_start3A_46 : memref<128xi32, #tpu.memory_space<vmem>>) semaphore(%arg21 : memref<!tpu.dma_semaphore, #tpu.memory_space<semaphore_mem>>)
    %dma_start3A_49 = arith.constant 384 : i32
    %dma_start3A_50 = tpu.memref_slice %arg13[%dma_start3A_49] : memref<1024xf32, #tpu.memory_space<vmem>> -> memref<128xf32, #tpu.memory_space<vmem>>
    %dma_start3A_51 = arith.constant 384 : i32
    %dma_start3A_52 = tpu.memref_slice %arg10[%dma_start3A_51] : memref<1024xi32, #tpu.memory_space<vmem>> -> memref<128xi32, #tpu.memory_space<vmem>>
    %dma_start3A_53 = arith.constant 0 : i32
    %dma_start3A_54 = tpu.memref_slice %arg2[%dma_start3A_53] : memref<1048576xf32, #tpu.memory_space<hbm>> -> memref<1048576xf32, #tpu.memory_space<hbm>>
    tpu.enqueue_indirect_dma source(%dma_start3A_54 : memref<1048576xf32, #tpu.memory_space<hbm>>) target(%dma_start3A_50 : memref<128xf32, #tpu.memory_space<vmem>>) offsets(%dma_start3A_52 : memref<128xi32, #tpu.memory_space<vmem>>) semaphore(%arg20 : memref<!tpu.dma_semaphore, #tpu.memory_space<semaphore_mem>>)
    %dma_start3A_55 = arith.constant 384 : i32
    %dma_start3A_56 = tpu.memref_slice %arg14[%dma_start3A_55] : memref<1024xf32, #tpu.memory_space<vmem>> -> memref<128xf32, #tpu.memory_space<vmem>>
    %dma_start3A_57 = arith.constant 384 : i32
    %dma_start3A_58 = tpu.memref_slice %arg11[%dma_start3A_57] : memref<1024xi32, #tpu.memory_space<vmem>> -> memref<128xi32, #tpu.memory_space<vmem>>
    %dma_start3A_59 = arith.constant 0 : i32
    %dma_start3A_60 = tpu.memref_slice %arg3[%dma_start3A_59] : memref<100352xf32, #tpu.memory_space<hbm>> -> memref<100352xf32, #tpu.memory_space<hbm>>
    tpu.enqueue_indirect_dma source(%dma_start3A_60 : memref<100352xf32, #tpu.memory_space<hbm>>) target(%dma_start3A_56 : memref<128xf32, #tpu.memory_space<vmem>>) offsets(%dma_start3A_58 : memref<128xi32, #tpu.memory_space<vmem>>) semaphore(%arg21 : memref<!tpu.dma_semaphore, #tpu.memory_space<semaphore_mem>>)
    %dma_start3A_61 = arith.constant 512 : i32
    %dma_start3A_62 = tpu.memref_slice %arg13[%dma_start3A_61] : memref<1024xf32, #tpu.memory_space<vmem>> -> memref<128xf32, #tpu.memory_space<vmem>>
    %dma_start3A_63 = arith.constant 512 : i32
    %dma_start3A_64 = tpu.memref_slice %arg10[%dma_start3A_63] : memref<1024xi32, #tpu.memory_space<vmem>> -> memref<128xi32, #tpu.memory_space<vmem>>
    %dma_start3A_65 = arith.constant 0 : i32
    %dma_start3A_66 = tpu.memref_slice %arg2[%dma_start3A_65] : memref<1048576xf32, #tpu.memory_space<hbm>> -> memref<1048576xf32, #tpu.memory_space<hbm>>
    tpu.enqueue_indirect_dma source(%dma_start3A_66 : memref<1048576xf32, #tpu.memory_space<hbm>>) target(%dma_start3A_62 : memref<128xf32, #tpu.memory_space<vmem>>) offsets(%dma_start3A_64 : memref<128xi32, #tpu.memory_space<vmem>>) semaphore(%arg20 : memref<!tpu.dma_semaphore, #tpu.memory_space<semaphore_mem>>)
    %dma_start3A_67 = arith.constant 512 : i32
    %dma_start3A_68 = tpu.memref_slice %arg14[%dma_start3A_67] : memref<1024xf32, #tpu.memory_space<vmem>> -> memref<128xf32, #tpu.memory_space<vmem>>
    %dma_start3A_69 = arith.constant 512 : i32
    %dma_start3A_70 = tpu.memref_slice %arg11[%dma_start3A_69] : memref<1024xi32, #tpu.memory_space<vmem>> -> memref<128xi32, #tpu.memory_space<vmem>>
    %dma_start3A_71 = arith.constant 0 : i32
    %dma_start3A_72 = tpu.memref_slice %arg3[%dma_start3A_71] : memref<100352xf32, #tpu.memory_space<hbm>> -> memref<100352xf32, #tpu.memory_space<hbm>>
    tpu.enqueue_indirect_dma source(%dma_start3A_72 : memref<100352xf32, #tpu.memory_space<hbm>>) target(%dma_start3A_68 : memref<128xf32, #tpu.memory_space<vmem>>) offsets(%dma_start3A_70 : memref<128xi32, #tpu.memory_space<vmem>>) semaphore(%arg21 : memref<!tpu.dma_semaphore, #tpu.memory_space<semaphore_mem>>)
    %dma_start3A_73 = arith.constant 640 : i32
    %dma_start3A_74 = tpu.memref_slice %arg13[%dma_start3A_73] : memref<1024xf32, #tpu.memory_space<vmem>> -> memref<128xf32, #tpu.memory_space<vmem>>
    %dma_start3A_75 = arith.constant 640 : i32
    %dma_start3A_76 = tpu.memref_slice %arg10[%dma_start3A_75] : memref<1024xi32, #tpu.memory_space<vmem>> -> memref<128xi32, #tpu.memory_space<vmem>>
    %dma_start3A_77 = arith.constant 0 : i32
    %dma_start3A_78 = tpu.memref_slice %arg2[%dma_start3A_77] : memref<1048576xf32, #tpu.memory_space<hbm>> -> memref<1048576xf32, #tpu.memory_space<hbm>>
    tpu.enqueue_indirect_dma source(%dma_start3A_78 : memref<1048576xf32, #tpu.memory_space<hbm>>) target(%dma_start3A_74 : memref<128xf32, #tpu.memory_space<vmem>>) offsets(%dma_start3A_76 : memref<128xi32, #tpu.memory_space<vmem>>) semaphore(%arg20 : memref<!tpu.dma_semaphore, #tpu.memory_space<semaphore_mem>>)
    %dma_start3A_79 = arith.constant 640 : i32
    %dma_start3A_80 = tpu.memref_slice %arg14[%dma_start3A_79] : memref<1024xf32, #tpu.memory_space<vmem>> -> memref<128xf32, #tpu.memory_space<vmem>>
    %dma_start3A_81 = arith.constant 640 : i32
    %dma_start3A_82 = tpu.memref_slice %arg11[%dma_start3A_81] : memref<1024xi32, #tpu.memory_space<vmem>> -> memref<128xi32, #tpu.memory_space<vmem>>
    %dma_start3A_83 = arith.constant 0 : i32
    %dma_start3A_84 = tpu.memref_slice %arg3[%dma_start3A_83] : memref<100352xf32, #tpu.memory_space<hbm>> -> memref<100352xf32, #tpu.memory_space<hbm>>
    tpu.enqueue_indirect_dma source(%dma_start3A_84 : memref<100352xf32, #tpu.memory_space<hbm>>) target(%dma_start3A_80 : memref<128xf32, #tpu.memory_space<vmem>>) offsets(%dma_start3A_82 : memref<128xi32, #tpu.memory_space<vmem>>) semaphore(%arg21 : memref<!tpu.dma_semaphore, #tpu.memory_space<semaphore_mem>>)
    %dma_start3A_85 = arith.constant 768 : i32
    %dma_start3A_86 = tpu.memref_slice %arg13[%dma_start3A_85] : memref<1024xf32, #tpu.memory_space<vmem>> -> memref<128xf32, #tpu.memory_space<vmem>>
    %dma_start3A_87 = arith.constant 768 : i32
    %dma_start3A_88 = tpu.memref_slice %arg10[%dma_start3A_87] : memref<1024xi32, #tpu.memory_space<vmem>> -> memref<128xi32, #tpu.memory_space<vmem>>
    %dma_start3A_89 = arith.constant 0 : i32
    %dma_start3A_90 = tpu.memref_slice %arg2[%dma_start3A_89] : memref<1048576xf32, #tpu.memory_space<hbm>> -> memref<1048576xf32, #tpu.memory_space<hbm>>
    tpu.enqueue_indirect_dma source(%dma_start3A_90 : memref<1048576xf32, #tpu.memory_space<hbm>>) target(%dma_start3A_86 : memref<128xf32, #tpu.memory_space<vmem>>) offsets(%dma_start3A_88 : memref<128xi32, #tpu.memory_space<vmem>>) semaphore(%arg20 : memref<!tpu.dma_semaphore, #tpu.memory_space<semaphore_mem>>)
    %dma_start3A_91 = arith.constant 768 : i32
    %dma_start3A_92 = tpu.memref_slice %arg14[%dma_start3A_91] : memref<1024xf32, #tpu.memory_space<vmem>> -> memref<128xf32, #tpu.memory_space<vmem>>
    %dma_start3A_93 = arith.constant 768 : i32
    %dma_start3A_94 = tpu.memref_slice %arg11[%dma_start3A_93] : memref<1024xi32, #tpu.memory_space<vmem>> -> memref<128xi32, #tpu.memory_space<vmem>>
    %dma_start3A_95 = arith.constant 0 : i32
    %dma_start3A_96 = tpu.memref_slice %arg3[%dma_start3A_95] : memref<100352xf32, #tpu.memory_space<hbm>> -> memref<100352xf32, #tpu.memory_space<hbm>>
    tpu.enqueue_indirect_dma source(%dma_start3A_96 : memref<100352xf32, #tpu.memory_space<hbm>>) target(%dma_start3A_92 : memref<128xf32, #tpu.memory_space<vmem>>) offsets(%dma_start3A_94 : memref<128xi32, #tpu.memory_space<vmem>>) semaphore(%arg21 : memref<!tpu.dma_semaphore, #tpu.memory_space<semaphore_mem>>)
    %dma_start3A_97 = arith.constant 896 : i32
    %dma_start3A_98 = tpu.memref_slice %arg13[%dma_start3A_97] : memref<1024xf32, #tpu.memory_space<vmem>> -> memref<128xf32, #tpu.memory_space<vmem>>
    %dma_start3A_99 = arith.constant 896 : i32
    %dma_start3A_100 = tpu.memref_slice %arg10[%dma_start3A_99] : memref<1024xi32, #tpu.memory_space<vmem>> -> memref<128xi32, #tpu.memory_space<vmem>>
    %dma_start3A_101 = arith.constant 0 : i32
    %dma_start3A_102 = tpu.memref_slice %arg2[%dma_start3A_101] : memref<1048576xf32, #tpu.memory_space<hbm>> -> memref<1048576xf32, #tpu.memory_space<hbm>>
    tpu.enqueue_indirect_dma source(%dma_start3A_102 : memref<1048576xf32, #tpu.memory_space<hbm>>) target(%dma_start3A_98 : memref<128xf32, #tpu.memory_space<vmem>>) offsets(%dma_start3A_100 : memref<128xi32, #tpu.memory_space<vmem>>) semaphore(%arg20 : memref<!tpu.dma_semaphore, #tpu.memory_space<semaphore_mem>>)
    %dma_start3A_103 = arith.constant 896 : i32
    %dma_start3A_104 = tpu.memref_slice %arg14[%dma_start3A_103] : memref<1024xf32, #tpu.memory_space<vmem>> -> memref<128xf32, #tpu.memory_space<vmem>>
    %dma_start3A_105 = arith.constant 896 : i32
    %dma_start3A_106 = tpu.memref_slice %arg11[%dma_start3A_105] : memref<1024xi32, #tpu.memory_space<vmem>> -> memref<128xi32, #tpu.memory_space<vmem>>
    %dma_start3A_107 = arith.constant 0 : i32
    %dma_start3A_108 = tpu.memref_slice %arg3[%dma_start3A_107] : memref<100352xf32, #tpu.memory_space<hbm>> -> memref<100352xf32, #tpu.memory_space<hbm>>
    tpu.enqueue_indirect_dma source(%dma_start3A_108 : memref<100352xf32, #tpu.memory_space<hbm>>) target(%dma_start3A_104 : memref<128xf32, #tpu.memory_space<vmem>>) offsets(%dma_start3A_106 : memref<128xi32, #tpu.memory_space<vmem>>) semaphore(%arg21 : memref<!tpu.dma_semaphore, #tpu.memory_space<semaphore_mem>>)
    %dma_wait3A_109 = arith.constant 0 : i32
    %dma_wait3A_110 = tpu.memref_slice %arg13[%dma_wait3A_109] : memref<1024xf32, #tpu.memory_space<vmem>> -> memref<128xf32, #tpu.memory_space<vmem>>
    %dma_wait3A_111 = arith.constant 0 : i32
    %dma_wait3A_112 = tpu.memref_slice %arg10[%dma_wait3A_111] : memref<1024xi32, #tpu.memory_space<vmem>> -> memref<128xi32, #tpu.memory_space<vmem>>
    %dma_wait3A_113 = arith.constant 0 : i32
    %dma_wait3A_114 = tpu.memref_slice %arg2[%dma_wait3A_113] : memref<1048576xf32, #tpu.memory_space<hbm>> -> memref<1048576xf32, #tpu.memory_space<hbm>>
    tpu.wait_indirect_dma semaphore(%arg20 : memref<!tpu.dma_semaphore, #tpu.memory_space<semaphore_mem>>) src(%dma_wait3A_114 : memref<1048576xf32, #tpu.memory_space<hbm>>) dst(%dma_wait3A_110 : memref<128xf32, #tpu.memory_space<vmem>>)
    %dma_wait3A_115 = arith.constant 0 : i32
    %dma_wait3A_116 = tpu.memref_slice %arg14[%dma_wait3A_115] : memref<1024xf32, #tpu.memory_space<vmem>> -> memref<128xf32, #tpu.memory_space<vmem>>
    %dma_wait3A_117 = arith.constant 0 : i32
    %dma_wait3A_118 = tpu.memref_slice %arg11[%dma_wait3A_117] : memref<1024xi32, #tpu.memory_space<vmem>> -> memref<128xi32, #tpu.memory_space<vmem>>
    %dma_wait3A_119 = arith.constant 0 : i32
    %dma_wait3A_120 = tpu.memref_slice %arg3[%dma_wait3A_119] : memref<100352xf32, #tpu.memory_space<hbm>> -> memref<100352xf32, #tpu.memory_space<hbm>>
    tpu.wait_indirect_dma semaphore(%arg21 : memref<!tpu.dma_semaphore, #tpu.memory_space<semaphore_mem>>) src(%dma_wait3A_120 : memref<100352xf32, #tpu.memory_space<hbm>>) dst(%dma_wait3A_116 : memref<128xf32, #tpu.memory_space<vmem>>)
    %dma_wait3A_121 = arith.constant 128 : i32
    %dma_wait3A_122 = tpu.memref_slice %arg13[%dma_wait3A_121] : memref<1024xf32, #tpu.memory_space<vmem>> -> memref<128xf32, #tpu.memory_space<vmem>>
    %dma_wait3A_123 = arith.constant 128 : i32
    %dma_wait3A_124 = tpu.memref_slice %arg10[%dma_wait3A_123] : memref<1024xi32, #tpu.memory_space<vmem>> -> memref<128xi32, #tpu.memory_space<vmem>>
    %dma_wait3A_125 = arith.constant 0 : i32
    %dma_wait3A_126 = tpu.memref_slice %arg2[%dma_wait3A_125] : memref<1048576xf32, #tpu.memory_space<hbm>> -> memref<1048576xf32, #tpu.memory_space<hbm>>
    tpu.wait_indirect_dma semaphore(%arg20 : memref<!tpu.dma_semaphore, #tpu.memory_space<semaphore_mem>>) src(%dma_wait3A_126 : memref<1048576xf32, #tpu.memory_space<hbm>>) dst(%dma_wait3A_122 : memref<128xf32, #tpu.memory_space<vmem>>)
    %dma_wait3A_127 = arith.constant 128 : i32
    %dma_wait3A_128 = tpu.memref_slice %arg14[%dma_wait3A_127] : memref<1024xf32, #tpu.memory_space<vmem>> -> memref<128xf32, #tpu.memory_space<vmem>>
    %dma_wait3A_129 = arith.constant 128 : i32
    %dma_wait3A_130 = tpu.memref_slice %arg11[%dma_wait3A_129] : memref<1024xi32, #tpu.memory_space<vmem>> -> memref<128xi32, #tpu.memory_space<vmem>>
    %dma_wait3A_131 = arith.constant 0 : i32
    %dma_wait3A_132 = tpu.memref_slice %arg3[%dma_wait3A_131] : memref<100352xf32, #tpu.memory_space<hbm>> -> memref<100352xf32, #tpu.memory_space<hbm>>
    tpu.wait_indirect_dma semaphore(%arg21 : memref<!tpu.dma_semaphore, #tpu.memory_space<semaphore_mem>>) src(%dma_wait3A_132 : memref<100352xf32, #tpu.memory_space<hbm>>) dst(%dma_wait3A_128 : memref<128xf32, #tpu.memory_space<vmem>>)
    %dma_wait3A_133 = arith.constant 256 : i32
    %dma_wait3A_134 = tpu.memref_slice %arg13[%dma_wait3A_133] : memref<1024xf32, #tpu.memory_space<vmem>> -> memref<128xf32, #tpu.memory_space<vmem>>
    %dma_wait3A_135 = arith.constant 256 : i32
    %dma_wait3A_136 = tpu.memref_slice %arg10[%dma_wait3A_135] : memref<1024xi32, #tpu.memory_space<vmem>> -> memref<128xi32, #tpu.memory_space<vmem>>
    %dma_wait3A_137 = arith.constant 0 : i32
    %dma_wait3A_138 = tpu.memref_slice %arg2[%dma_wait3A_137] : memref<1048576xf32, #tpu.memory_space<hbm>> -> memref<1048576xf32, #tpu.memory_space<hbm>>
    tpu.wait_indirect_dma semaphore(%arg20 : memref<!tpu.dma_semaphore, #tpu.memory_space<semaphore_mem>>) src(%dma_wait3A_138 : memref<1048576xf32, #tpu.memory_space<hbm>>) dst(%dma_wait3A_134 : memref<128xf32, #tpu.memory_space<vmem>>)
    %dma_wait3A_139 = arith.constant 256 : i32
    %dma_wait3A_140 = tpu.memref_slice %arg14[%dma_wait3A_139] : memref<1024xf32, #tpu.memory_space<vmem>> -> memref<128xf32, #tpu.memory_space<vmem>>
    %dma_wait3A_141 = arith.constant 256 : i32
    %dma_wait3A_142 = tpu.memref_slice %arg11[%dma_wait3A_141] : memref<1024xi32, #tpu.memory_space<vmem>> -> memref<128xi32, #tpu.memory_space<vmem>>
    %dma_wait3A_143 = arith.constant 0 : i32
    %dma_wait3A_144 = tpu.memref_slice %arg3[%dma_wait3A_143] : memref<100352xf32, #tpu.memory_space<hbm>> -> memref<100352xf32, #tpu.memory_space<hbm>>
    tpu.wait_indirect_dma semaphore(%arg21 : memref<!tpu.dma_semaphore, #tpu.memory_space<semaphore_mem>>) src(%dma_wait3A_144 : memref<100352xf32, #tpu.memory_space<hbm>>) dst(%dma_wait3A_140 : memref<128xf32, #tpu.memory_space<vmem>>)
    %dma_wait3A_145 = arith.constant 384 : i32
    %dma_wait3A_146 = tpu.memref_slice %arg13[%dma_wait3A_145] : memref<1024xf32, #tpu.memory_space<vmem>> -> memref<128xf32, #tpu.memory_space<vmem>>
    %dma_wait3A_147 = arith.constant 384 : i32
    %dma_wait3A_148 = tpu.memref_slice %arg10[%dma_wait3A_147] : memref<1024xi32, #tpu.memory_space<vmem>> -> memref<128xi32, #tpu.memory_space<vmem>>
    %dma_wait3A_149 = arith.constant 0 : i32
    %dma_wait3A_150 = tpu.memref_slice %arg2[%dma_wait3A_149] : memref<1048576xf32, #tpu.memory_space<hbm>> -> memref<1048576xf32, #tpu.memory_space<hbm>>
    tpu.wait_indirect_dma semaphore(%arg20 : memref<!tpu.dma_semaphore, #tpu.memory_space<semaphore_mem>>) src(%dma_wait3A_150 : memref<1048576xf32, #tpu.memory_space<hbm>>) dst(%dma_wait3A_146 : memref<128xf32, #tpu.memory_space<vmem>>)
    %dma_wait3A_151 = arith.constant 384 : i32
    %dma_wait3A_152 = tpu.memref_slice %arg14[%dma_wait3A_151] : memref<1024xf32, #tpu.memory_space<vmem>> -> memref<128xf32, #tpu.memory_space<vmem>>
    %dma_wait3A_153 = arith.constant 384 : i32
    %dma_wait3A_154 = tpu.memref_slice %arg11[%dma_wait3A_153] : memref<1024xi32, #tpu.memory_space<vmem>> -> memref<128xi32, #tpu.memory_space<vmem>>
    %dma_wait3A_155 = arith.constant 0 : i32
    %dma_wait3A_156 = tpu.memref_slice %arg3[%dma_wait3A_155] : memref<100352xf32, #tpu.memory_space<hbm>> -> memref<100352xf32, #tpu.memory_space<hbm>>
    tpu.wait_indirect_dma semaphore(%arg21 : memref<!tpu.dma_semaphore, #tpu.memory_space<semaphore_mem>>) src(%dma_wait3A_156 : memref<100352xf32, #tpu.memory_space<hbm>>) dst(%dma_wait3A_152 : memref<128xf32, #tpu.memory_space<vmem>>)
    %dma_wait3A_157 = arith.constant 512 : i32
    %dma_wait3A_158 = tpu.memref_slice %arg13[%dma_wait3A_157] : memref<1024xf32, #tpu.memory_space<vmem>> -> memref<128xf32, #tpu.memory_space<vmem>>
    %dma_wait3A_159 = arith.constant 512 : i32
    %dma_wait3A_160 = tpu.memref_slice %arg10[%dma_wait3A_159] : memref<1024xi32, #tpu.memory_space<vmem>> -> memref<128xi32, #tpu.memory_space<vmem>>
    %dma_wait3A_161 = arith.constant 0 : i32
    %dma_wait3A_162 = tpu.memref_slice %arg2[%dma_wait3A_161] : memref<1048576xf32, #tpu.memory_space<hbm>> -> memref<1048576xf32, #tpu.memory_space<hbm>>
    tpu.wait_indirect_dma semaphore(%arg20 : memref<!tpu.dma_semaphore, #tpu.memory_space<semaphore_mem>>) src(%dma_wait3A_162 : memref<1048576xf32, #tpu.memory_space<hbm>>) dst(%dma_wait3A_158 : memref<128xf32, #tpu.memory_space<vmem>>)
    %dma_wait3A_163 = arith.constant 512 : i32
    %dma_wait3A_164 = tpu.memref_slice %arg14[%dma_wait3A_163] : memref<1024xf32, #tpu.memory_space<vmem>> -> memref<128xf32, #tpu.memory_space<vmem>>
    %dma_wait3A_165 = arith.constant 512 : i32
    %dma_wait3A_166 = tpu.memref_slice %arg11[%dma_wait3A_165] : memref<1024xi32, #tpu.memory_space<vmem>> -> memref<128xi32, #tpu.memory_space<vmem>>
    %dma_wait3A_167 = arith.constant 0 : i32
    %dma_wait3A_168 = tpu.memref_slice %arg3[%dma_wait3A_167] : memref<100352xf32, #tpu.memory_space<hbm>> -> memref<100352xf32, #tpu.memory_space<hbm>>
    tpu.wait_indirect_dma semaphore(%arg21 : memref<!tpu.dma_semaphore, #tpu.memory_space<semaphore_mem>>) src(%dma_wait3A_168 : memref<100352xf32, #tpu.memory_space<hbm>>) dst(%dma_wait3A_164 : memref<128xf32, #tpu.memory_space<vmem>>)
    %dma_wait3A_169 = arith.constant 640 : i32
    %dma_wait3A_170 = tpu.memref_slice %arg13[%dma_wait3A_169] : memref<1024xf32, #tpu.memory_space<vmem>> -> memref<128xf32, #tpu.memory_space<vmem>>
    %dma_wait3A_171 = arith.constant 640 : i32
    %dma_wait3A_172 = tpu.memref_slice %arg10[%dma_wait3A_171] : memref<1024xi32, #tpu.memory_space<vmem>> -> memref<128xi32, #tpu.memory_space<vmem>>
    %dma_wait3A_173 = arith.constant 0 : i32
    %dma_wait3A_174 = tpu.memref_slice %arg2[%dma_wait3A_173] : memref<1048576xf32, #tpu.memory_space<hbm>> -> memref<1048576xf32, #tpu.memory_space<hbm>>
    tpu.wait_indirect_dma semaphore(%arg20 : memref<!tpu.dma_semaphore, #tpu.memory_space<semaphore_mem>>) src(%dma_wait3A_174 : memref<1048576xf32, #tpu.memory_space<hbm>>) dst(%dma_wait3A_170 : memref<128xf32, #tpu.memory_space<vmem>>)
    %dma_wait3A_175 = arith.constant 640 : i32
    %dma_wait3A_176 = tpu.memref_slice %arg14[%dma_wait3A_175] : memref<1024xf32, #tpu.memory_space<vmem>> -> memref<128xf32, #tpu.memory_space<vmem>>
    %dma_wait3A_177 = arith.constant 640 : i32
    %dma_wait3A_178 = tpu.memref_slice %arg11[%dma_wait3A_177] : memref<1024xi32, #tpu.memory_space<vmem>> -> memref<128xi32, #tpu.memory_space<vmem>>
    %dma_wait3A_179 = arith.constant 0 : i32
    %dma_wait3A_180 = tpu.memref_slice %arg3[%dma_wait3A_179] : memref<100352xf32, #tpu.memory_space<hbm>> -> memref<100352xf32, #tpu.memory_space<hbm>>
    tpu.wait_indirect_dma semaphore(%arg21 : memref<!tpu.dma_semaphore, #tpu.memory_space<semaphore_mem>>) src(%dma_wait3A_180 : memref<100352xf32, #tpu.memory_space<hbm>>) dst(%dma_wait3A_176 : memref<128xf32, #tpu.memory_space<vmem>>)
    %dma_wait3A_181 = arith.constant 768 : i32
    %dma_wait3A_182 = tpu.memref_slice %arg13[%dma_wait3A_181] : memref<1024xf32, #tpu.memory_space<vmem>> -> memref<128xf32, #tpu.memory_space<vmem>>
    %dma_wait3A_183 = arith.constant 768 : i32
    %dma_wait3A_184 = tpu.memref_slice %arg10[%dma_wait3A_183] : memref<1024xi32, #tpu.memory_space<vmem>> -> memref<128xi32, #tpu.memory_space<vmem>>
    %dma_wait3A_185 = arith.constant 0 : i32
    %dma_wait3A_186 = tpu.memref_slice %arg2[%dma_wait3A_185] : memref<1048576xf32, #tpu.memory_space<hbm>> -> memref<1048576xf32, #tpu.memory_space<hbm>>
    tpu.wait_indirect_dma semaphore(%arg20 : memref<!tpu.dma_semaphore, #tpu.memory_space<semaphore_mem>>) src(%dma_wait3A_186 : memref<1048576xf32, #tpu.memory_space<hbm>>) dst(%dma_wait3A_182 : memref<128xf32, #tpu.memory_space<vmem>>)
    %dma_wait3A_187 = arith.constant 768 : i32
    %dma_wait3A_188 = tpu.memref_slice %arg14[%dma_wait3A_187] : memref<1024xf32, #tpu.memory_space<vmem>> -> memref<128xf32, #tpu.memory_space<vmem>>
    %dma_wait3A_189 = arith.constant 768 : i32
    %dma_wait3A_190 = tpu.memref_slice %arg11[%dma_wait3A_189] : memref<1024xi32, #tpu.memory_space<vmem>> -> memref<128xi32, #tpu.memory_space<vmem>>
    %dma_wait3A_191 = arith.constant 0 : i32
    %dma_wait3A_192 = tpu.memref_slice %arg3[%dma_wait3A_191] : memref<100352xf32, #tpu.memory_space<hbm>> -> memref<100352xf32, #tpu.memory_space<hbm>>
    tpu.wait_indirect_dma semaphore(%arg21 : memref<!tpu.dma_semaphore, #tpu.memory_space<semaphore_mem>>) src(%dma_wait3A_192 : memref<100352xf32, #tpu.memory_space<hbm>>) dst(%dma_wait3A_188 : memref<128xf32, #tpu.memory_space<vmem>>)
    %dma_wait3A_193 = arith.constant 896 : i32
    %dma_wait3A_194 = tpu.memref_slice %arg13[%dma_wait3A_193] : memref<1024xf32, #tpu.memory_space<vmem>> -> memref<128xf32, #tpu.memory_space<vmem>>
    %dma_wait3A_195 = arith.constant 896 : i32
    %dma_wait3A_196 = tpu.memref_slice %arg10[%dma_wait3A_195] : memref<1024xi32, #tpu.memory_space<vmem>> -> memref<128xi32, #tpu.memory_space<vmem>>
    %dma_wait3A_197 = arith.constant 0 : i32
    %dma_wait3A_198 = tpu.memref_slice %arg2[%dma_wait3A_197] : memref<1048576xf32, #tpu.memory_space<hbm>> -> memref<1048576xf32, #tpu.memory_space<hbm>>
    tpu.wait_indirect_dma semaphore(%arg20 : memref<!tpu.dma_semaphore, #tpu.memory_space<semaphore_mem>>) src(%dma_wait3A_198 : memref<1048576xf32, #tpu.memory_space<hbm>>) dst(%dma_wait3A_194 : memref<128xf32, #tpu.memory_space<vmem>>)
    %dma_wait3A_199 = arith.constant 896 : i32
    %dma_wait3A_200 = tpu.memref_slice %arg14[%dma_wait3A_199] : memref<1024xf32, #tpu.memory_space<vmem>> -> memref<128xf32, #tpu.memory_space<vmem>>
    %dma_wait3A_201 = arith.constant 896 : i32
    %dma_wait3A_202 = tpu.memref_slice %arg11[%dma_wait3A_201] : memref<1024xi32, #tpu.memory_space<vmem>> -> memref<128xi32, #tpu.memory_space<vmem>>
    %dma_wait3A_203 = arith.constant 0 : i32
    %dma_wait3A_204 = tpu.memref_slice %arg3[%dma_wait3A_203] : memref<100352xf32, #tpu.memory_space<hbm>> -> memref<100352xf32, #tpu.memory_space<hbm>>
    tpu.wait_indirect_dma semaphore(%arg21 : memref<!tpu.dma_semaphore, #tpu.memory_space<semaphore_mem>>) src(%dma_wait3A_204 : memref<100352xf32, #tpu.memory_space<hbm>>) dst(%dma_wait3A_200 : memref<128xf32, #tpu.memory_space<vmem>>)
    %get3A = arith.constant 0 : i32
    %get3A_205 = arith.index_cast %get3A : i32 to index
    %get3A_206 = arith.constant 64 : index
    %get3A_207 = tpu.vector_load %arg16[%get3A_205, %get3A_206] {strides = array<i32>} : memref<1x128xf32, #tpu.memory_space<vmem>>, vector<16xf32>,
    %slice3A = vector.extract_strided_slice %get3A_207 {offsets = [0], sizes = [1], strides = [1]} : vector<16xf32> to vector<1xf32>
    %squeeze3A = vector.extract %slice3A[0] : f32 from vector<1xf32>
    %iota3A = tpu.iota {dimensions = array<i32: 0>} : vector<16xi32>
    %broadcast_in_dim3A = arith.constant 0.000000e+00 : f32
    %broadcast_in_dim3A_208 = vector.broadcast %broadcast_in_dim3A : f32 to vector<16xf32>
    %scan3A = arith.constant 0 : i32
    %scan3A_209 = arith.constant 64 : i32
    %scan3A_210 = arith.addi %scan3A, %scan3A_209 : i32
    %scan3A_211 = arith.constant 1 : i32
    %scan3A_212 = scf.for %scan3A_220 = %scan3A to %scan3A_210 step %scan3A_211 iter_args(%scan3A_221 = %broadcast_in_dim3A_208) -> (vector<16xf32>)  : i32 {
      %mul3A_222 = arith.constant 16 : i32
      %mul3A_223 = arith.muli %scan3A_220, %mul3A_222 : i32
      %multiple_of3A_224 = tpu.assume_multiple %mul3A_223, 16 : i32
      %get3A_225 = arith.index_cast %multiple_of3A_224 : i32 to index
      %get3A_226 = tpu.vector_load %arg13[%get3A_225] {strides = array<i32>} : memref<1024xf32, #tpu.memory_space<vmem>>, vector<16xf32>,
      %get3A_227 = arith.index_cast %multiple_of3A_224 : i32 to index
      %get3A_228 = tpu.vector_load %arg14[%get3A_227] {strides = array<i32>} : memref<1024xf32, #tpu.memory_space<vmem>>, vector<16xf32>,
      %add3A_229 = arith.addf %get3A_226, %get3A_228 : vector<16xf32>
      %add3A_230 = vector.broadcast %squeeze3A : f32 to vector<16xf32>
      %add3A_231 = arith.addf %add3A_229, %add3A_230 : vector<16xf32>
      %swap3A_232 = arith.index_cast %multiple_of3A_224 : i32 to index
      %swap3A_233 = tpu.vector_load %arg15[%swap3A_232] {strides = array<i32>} : memref<1024xf32, #tpu.memory_space<vmem>>, vector<16xf32>,
      tpu.vector_store %arg15[%swap3A_232], %add3A_231 {strides = array<i32>} : memref<1024xf32, #tpu.memory_space<vmem>>, vector<16xf32>,
      %get3A_234 = arith.index_cast %multiple_of3A_224 : i32 to index
      %get3A_235 = tpu.vector_load %arg12[%get3A_234] {strides = array<i32>} : memref<1024xf32, #tpu.memory_space<vmem>>, vector<16xf32>,
      %sub3A = arith.subf %add3A_231, %get3A_235 : vector<16xf32>
      %mul3A_236 = arith.mulf %sub3A, %sub3A : vector<16xf32>
      %add3A_237 = arith.addf %scan3A_221, %mul3A_236 : vector<16xf32>
      scf.yield %add3A_237 : vector<16xf32>
    }
    %scan3A_213 = arith.constant 64 : i32
    "tpu.region"() ({
      %run_scoped3A = tpu.sem_alloc : memref<!tpu.dma_semaphore, #tpu.memory_space<semaphore_mem>>
      %dma_start3A_220 = tpu.memref_slice %arg8[%multiple_of3A] : memref<16384xf32, #tpu.memory_space<hbm>> -> memref<1024xf32, #tpu.memory_space<hbm>>
      %dma_start3A_221 = tpu.memref_slice %arg8[%multiple_of3A] : memref<16384xf32, #tpu.memory_space<hbm>> -> memref<1024xf32, #tpu.memory_space<hbm>>
      tpu.enqueue_dma source(%arg15 : memref<1024xf32, #tpu.memory_space<vmem>>) target(%dma_start3A_221 : memref<1024xf32, #tpu.memory_space<hbm>>) target_semaphore(%run_scoped3A : memref<!tpu.dma_semaphore, #tpu.memory_space<semaphore_mem>>)
      %dma_wait3A_222 = tpu.memref_slice %arg8[%multiple_of3A] : memref<16384xf32, #tpu.memory_space<hbm>> -> memref<1024xf32, #tpu.memory_space<hbm>>
      %dma_wait3A_223 = tpu.memref_slice %arg8[%multiple_of3A] : memref<16384xf32, #tpu.memory_space<hbm>> -> memref<1024xf32, #tpu.memory_space<hbm>>
      tpu.wait_dma2 semaphore(%run_scoped3A : memref<!tpu.dma_semaphore, #tpu.memory_space<semaphore_mem>>) src(%arg15 : memref<1024xf32, #tpu.memory_space<vmem>>) dst(%dma_wait3A_223 : memref<1024xf32, #tpu.memory_space<hbm>>)
      tpu.yield
    }) : () -> ()
    %mul3A_214 = arith.constant 6.10351563E-5 : f32
    %mul3A_215 = vector.broadcast %mul3A_214 : f32 to vector<16xf32>
    %mul3A_216 = arith.mulf %scan3A_212, %mul3A_215 : vector<16xf32>
    %swap3A = arith.constant 0 : index
    %swap3A_217 = tpu.vector_load %arg17[%swap3A] {strides = array<i32>} : memref<128xf32, #tpu.memory_space<vmem>>, vector<16xf32>,
    tpu.vector_store %arg17[%swap3A], %mul3A_216 {strides = array<i32>} : memref<128xf32, #tpu.memory_space<vmem>>, vector<16xf32>,
    "tpu.region"() ({
      %run_scoped3A = tpu.sem_alloc : memref<!tpu.dma_semaphore, #tpu.memory_space<semaphore_mem>>
      %dma_start3A_220 = arith.constant 0 : i32
      %dma_start3A_221 = tpu.memref_slice %arg19[%arg1, %dma_start3A_220] : memref<16x128xf32, #tpu.memory_space<vmem_shared>> -> memref<1x128xf32, #tpu.memory_space<vmem_shared>>
      %dma_start3A_222 = tpu.memref_squeeze %dma_start3A_221 : memref<1x128xf32, #tpu.memory_space<vmem_shared>> -> memref<128xf32, #tpu.memory_space<vmem_shared>>
      %dma_start3A_223 = arith.constant 0 : i32
      %dma_start3A_224 = tpu.memref_slice %arg19[%arg1, %dma_start3A_223] : memref<16x128xf32, #tpu.memory_space<vmem_shared>> -> memref<1x128xf32, #tpu.memory_space<vmem_shared>>
      %dma_start3A_225 = tpu.memref_squeeze %dma_start3A_224 : memref<1x128xf32, #tpu.memory_space<vmem_shared>> -> memref<128xf32, #tpu.memory_space<vmem_shared>>
      tpu.enqueue_dma source(%arg17 : memref<128xf32, #tpu.memory_space<vmem>>) target(%dma_start3A_225 : memref<128xf32, #tpu.memory_space<vmem_shared>>) target_semaphore(%run_scoped3A : memref<!tpu.dma_semaphore, #tpu.memory_space<semaphore_mem>>)
      %dma_wait3A_226 = arith.constant 0 : i32
      %dma_wait3A_227 = tpu.memref_slice %arg19[%arg1, %dma_wait3A_226] : memref<16x128xf32, #tpu.memory_space<vmem_shared>> -> memref<1x128xf32, #tpu.memory_space<vmem_shared>>
      %dma_wait3A_228 = tpu.memref_squeeze %dma_wait3A_227 : memref<1x128xf32, #tpu.memory_space<vmem_shared>> -> memref<128xf32, #tpu.memory_space<vmem_shared>>
      %dma_wait3A_229 = arith.constant 0 : i32
      %dma_wait3A_230 = tpu.memref_slice %arg19[%arg1, %dma_wait3A_229] : memref<16x128xf32, #tpu.memory_space<vmem_shared>> -> memref<1x128xf32, #tpu.memory_space<vmem_shared>>
      %dma_wait3A_231 = tpu.memref_squeeze %dma_wait3A_230 : memref<1x128xf32, #tpu.memory_space<vmem_shared>> -> memref<128xf32, #tpu.memory_space<vmem_shared>>
      tpu.wait_dma2 semaphore(%run_scoped3A : memref<!tpu.dma_semaphore, #tpu.memory_space<semaphore_mem>>) src(%arg17 : memref<128xf32, #tpu.memory_space<vmem>>) dst(%dma_wait3A_231 : memref<128xf32, #tpu.memory_space<vmem_shared>>)
      tpu.yield
    }) : () -> ()
    %barrier3A = arith.constant 0 : index
    tpu.barrier barrier_id(%barrier3A)
    %eq3A = arith.constant 0 : i32
    %eq3A_218 = arith.cmpi eq, %arg1, %eq3A : i32
    %convert_element_type3A = arith.extui %eq3A_218 : i1 to i32
    %cond3A = arith.constant 0 : i32
    %cond3A_219 = arith.cmpi ne, %convert_element_type3A, %cond3A : i32
    scf.if %cond3A_219 {
      "tpu.region"() ({
        %run_scoped3A = tpu.sem_alloc : memref<!tpu.dma_semaphore, #tpu.memory_space<semaphore_mem>>
        tpu.enqueue_dma source(%arg19 : memref<16x128xf32, #tpu.memory_space<vmem_shared>>) target(%arg18 : memref<16x128xf32, #tpu.memory_space<vmem>>) target_semaphore(%run_scoped3A : memref<!tpu.dma_semaphore, #tpu.memory_space<semaphore_mem>>)
        tpu.wait_dma2 semaphore(%run_scoped3A : memref<!tpu.dma_semaphore, #tpu.memory_space<semaphore_mem>>) src(%arg19 : memref<16x128xf32, #tpu.memory_space<vmem_shared>>) dst(%arg18 : memref<16x128xf32, #tpu.memory_space<vmem>>)
        tpu.yield
      }) : () -> ()
      %get3A_220 = arith.constant 0 : i32
      %get3A_221 = arith.index_cast %get3A_220 : i32 to index
      %get3A_222 = arith.constant 0 : index
      %get3A_223 = tpu.vector_load %arg18[%get3A_221, %get3A_222] {strides = array<i32>} : memref<16x128xf32, #tpu.memory_space<vmem>>, vector<16xf32>,
      %scan3A_224 = arith.constant 1 : i32
      %scan3A_225 = arith.constant 15 : i32
      %scan3A_226 = arith.addi %scan3A_224, %scan3A_225 : i32
      %scan3A_227 = arith.constant 1 : i32
      %scan3A_228 = scf.for %scan3A_241 = %scan3A_224 to %scan3A_226 step %scan3A_227 iter_args(%scan3A_242 = %get3A_223) -> (vector<16xf32>)  : i32 {
        %get3A_243 = arith.index_cast %scan3A_241 : i32 to index
        %get3A_244 = arith.constant 0 : index
        %get3A_245 = tpu.vector_load %arg18[%get3A_243, %get3A_244] {strides = array<i32>} : memref<16x128xf32, #tpu.memory_space<vmem>>, vector<16xf32>,
        %add3A_246 = arith.addf %scan3A_242, %get3A_245 : vector<16xf32>
        scf.yield %add3A_246 : vector<16xf32>
      }
      %scan3A_229 = arith.constant 15 : i32
      %reduce_sum3A = arith.constant true
      %reduce_sum3A_230 = vector.broadcast %reduce_sum3A : i1 to vector<16xi1>
      %reduce_sum3A_231 = tpu.scan <sum>, %scan3A_228 masked %reduce_sum3A_230 : vector<16xf32>, vector<16xi1> -> vector<16xf32>
      %reduce_sum3A_232 = vector.extract %reduce_sum3A_231[15] : f32 from vector<16xf32>
      %eq3A_233 = arith.constant 0 : i32
      %eq3A_234 = vector.broadcast %eq3A_233 : i32 to vector<16xi32>
      %eq3A_235 = arith.cmpi eq, %iota3A, %eq3A_234 : vector<16xi32>
      %broadcast_in_dim3A_236 = vector.broadcast %reduce_sum3A_232 : f32 to vector<16xf32>
      %broadcast_in_dim3A_237 = arith.constant 0.000000e+00 : f32
      %broadcast_in_dim3A_238 = vector.broadcast %broadcast_in_dim3A_237 : f32 to vector<16xf32>
      %select_n3A = arith.select %eq3A_235, %broadcast_in_dim3A_236, %broadcast_in_dim3A_238 : vector<16xi1>, vector<16xf32>
      %swap3A_239 = arith.constant 0 : index
      %swap3A_240 = tpu.vector_load %arg17[%swap3A_239] {strides = array<i32>} : memref<128xf32, #tpu.memory_space<vmem>>, vector<16xf32>,
      tpu.vector_store %arg17[%swap3A_239], %select_n3A {strides = array<i32>} : memref<128xf32, #tpu.memory_space<vmem>>, vector<16xf32>,
      "tpu.region"() ({
        %run_scoped3A = tpu.sem_alloc : memref<!tpu.dma_semaphore, #tpu.memory_space<semaphore_mem>>
        %dma_start3A_241 = arith.constant 0 : i32
        %dma_start3A_242 = tpu.memref_slice %arg9[%arg0, %dma_start3A_241] : memref<1x128xf32, #tpu.memory_space<hbm>> -> memref<1x128xf32, #tpu.memory_space<hbm>>
        %dma_start3A_243 = tpu.memref_squeeze %dma_start3A_242 : memref<1x128xf32, #tpu.memory_space<hbm>> -> memref<128xf32, #tpu.memory_space<hbm>>
        %dma_start3A_244 = arith.constant 0 : i32
        %dma_start3A_245 = tpu.memref_slice %arg9[%arg0, %dma_start3A_244] : memref<1x128xf32, #tpu.memory_space<hbm>> -> memref<1x128xf32, #tpu.memory_space<hbm>>
        %dma_start3A_246 = tpu.memref_squeeze %dma_start3A_245 : memref<1x128xf32, #tpu.memory_space<hbm>> -> memref<128xf32, #tpu.memory_space<hbm>>
        tpu.enqueue_dma source(%arg17 : memref<128xf32, #tpu.memory_space<vmem>>) target(%dma_start3A_246 : memref<128xf32, #tpu.memory_space<hbm>>) target_semaphore(%run_scoped3A : memref<!tpu.dma_semaphore, #tpu.memory_space<semaphore_mem>>)
        %dma_wait3A_247 = arith.constant 0 : i32
        %dma_wait3A_248 = tpu.memref_slice %arg9[%arg0, %dma_wait3A_247] : memref<1x128xf32, #tpu.memory_space<hbm>> -> memref<1x128xf32, #tpu.memory_space<hbm>>
        %dma_wait3A_249 = tpu.memref_squeeze %dma_wait3A_248 : memref<1x128xf32, #tpu.memory_space<hbm>> -> memref<128xf32, #tpu.memory_space<hbm>>
        %dma_wait3A_250 = arith.constant 0 : i32
        %dma_wait3A_251 = tpu.memref_slice %arg9[%arg0, %dma_wait3A_250] : memref<1x128xf32, #tpu.memory_space<hbm>> -> memref<1x128xf32, #tpu.memory_space<hbm>>
        %dma_wait3A_252 = tpu.memref_squeeze %dma_wait3A_251 : memref<1x128xf32, #tpu.memory_space<hbm>> -> memref<128xf32, #tpu.memory_space<hbm>>
        tpu.wait_dma2 semaphore(%run_scoped3A : memref<!tpu.dma_semaphore, #tpu.memory_space<semaphore_mem>>) src(%arg17 : memref<128xf32, #tpu.memory_space<vmem>>) dst(%dma_wait3A_252 : memref<128xf32, #tpu.memory_space<hbm>>)
        tpu.yield
      }) : () -> ()
    } else {
    }
    return
  }
}

module attributes {stable_mosaic.version = 14 : i64} {
  func.func @_mv_body(%arg0: i32, %arg1: memref<1x128xf32, #tpu.memory_space<vmem>>, %arg2: memref<32x65536xf32, #tpu.memory_space<vmem>>, %arg3: memref<32x7168xf32, #tpu.memory_space<vmem>>, %arg4: memref<65536xf32, #tpu.memory_space<vmem>>, %arg5: memref<7168xf32, #tpu.memory_space<vmem>>) attributes {dimension_semantics = [#tpu.dimension_semantics<arbitrary>], iteration_bounds = array<i64: 16>, scalar_prefetch = 0 : i64, scratch_operands = 0 : i64, tpu.core_type = #tpu.core_type<tc>, window_params = [{pipeline_mode = #tpu.pipeline_mode<synchronous>, transform_indices = @transform_0, window_bounds = array<i64: 1, 128>}, {transform_indices = @transform_1, window_bounds = array<i64: 32, 65536>}, {transform_indices = @transform_2, window_bounds = array<i64: 32, 7168>}, {transform_indices = @transform_3, window_bounds = array<i64: 65536>}, {transform_indices = @transform_4, window_bounds = array<i64: 7168>}]} {
    %get3A = arith.constant 0 : index
    %get3A_0 = arith.constant 0 : index
    %get3A_1 = vector.load %arg1[%get3A, %get3A_0] : memref<1x128xf32, #tpu.memory_space<vmem>>, vector<1x128xf32>
    %slice3A = vector.extract_strided_slice %get3A_1 {offsets = [0, 0], sizes = [1, 32], strides = [1, 1]} : vector<1x128xf32> to vector<1x32xf32>
    %slice3A_2 = vector.extract_strided_slice %get3A_1 {offsets = [0, 32], sizes = [1, 32], strides = [1, 1]} : vector<1x128xf32> to vector<1x32xf32>
    %get3A_3 = arith.constant 0 : index
    %get3A_4 = arith.constant 0 : index
    %get3A_5 = vector.load %arg2[%get3A_3, %get3A_4] : memref<32x65536xf32, #tpu.memory_space<vmem>>, vector<32x65536xf32>
    %dot_general3A = arith.constant dense<0.000000e+00> : vector<1x65536xf32>
    %dot_general3A_6 = tpu.matmul %slice3A, %get3A_5, %dot_general3A {dimension_numbers = #tpu.dot_dimension_numbers<[1], [0], [0], [1], [0, 0, 1, 1], [], []>, transpose_lhs_hint = false} : vector<1x32xf32>, vector<32x65536xf32>, vector<1x65536xf32> -> vector<1x65536xf32>
    %squeeze3A = vector.shape_cast %dot_general3A_6 : vector<1x65536xf32> to vector<65536xf32>
    %swap3A = arith.constant 0 : index
    %swap3A_7 = vector.load %arg4[%swap3A] : memref<65536xf32, #tpu.memory_space<vmem>>, vector<65536xf32>
    tpu.vector_store %arg4[%swap3A], %squeeze3A {strides = array<i32>} : memref<65536xf32, #tpu.memory_space<vmem>>, vector<65536xf32>,
    %get3A_8 = arith.constant 0 : index
    %get3A_9 = arith.constant 0 : index
    %get3A_10 = vector.load %arg3[%get3A_8, %get3A_9] : memref<32x7168xf32, #tpu.memory_space<vmem>>, vector<32x7168xf32>
    %dot_general3A_11 = arith.constant dense<0.000000e+00> : vector<1x7168xf32>
    %dot_general3A_12 = tpu.matmul %slice3A_2, %get3A_10, %dot_general3A_11 {dimension_numbers = #tpu.dot_dimension_numbers<[1], [0], [0], [1], [0, 0, 1, 1], [], []>, transpose_lhs_hint = false} : vector<1x32xf32>, vector<32x7168xf32>, vector<1x7168xf32> -> vector<1x7168xf32>
    %squeeze3A_13 = vector.shape_cast %dot_general3A_12 : vector<1x7168xf32> to vector<7168xf32>
    %swap3A_14 = arith.constant 0 : index
    %swap3A_15 = vector.load %arg5[%swap3A_14] : memref<7168xf32, #tpu.memory_space<vmem>>, vector<7168xf32>
    tpu.vector_store %arg5[%swap3A_14], %squeeze3A_13 {strides = array<i32>} : memref<7168xf32, #tpu.memory_space<vmem>>, vector<7168xf32>,
    return
  }
  func.func @transform_0(%arg0: i32) -> (i32, i32) {
    %c0_i32 = arith.constant 0 : i32
    %c0_i32_0 = arith.constant 0 : i32
    %c0_i32_1 = arith.constant 0 : i32
    return %c0_i32, %c0_i32_0 : i32, i32
  }
  func.func @transform_1(%arg0: i32) -> (i32, i32) {
    %c0_i32 = arith.constant 0 : i32
    %c0_i32_0 = arith.constant 0 : i32
    return %c0_i32, %arg0 : i32, i32
  }
  func.func @transform_2(%arg0: i32) -> (i32, i32) {
    %min3A = arith.constant 13 : i32
    %min3A_0 = arith.minsi %arg0, %min3A : i32
    %c0_i32 = arith.constant 0 : i32
    %c0_i32_1 = arith.constant 0 : i32
    return %c0_i32, %min3A_0 : i32, i32
  }
  func.func @transform_3(%arg0: i32) -> i32 {
    %c0_i32 = arith.constant 0 : i32
    return %arg0 : i32
  }
  func.func @transform_4(%arg0: i32) -> i32 {
    %min3A = arith.constant 13 : i32
    %min3A_0 = arith.minsi %arg0, %min3A : i32
    %c0_i32 = arith.constant 0 : i32
    return %min3A_0 : i32
  }
}

</mosaic_0001>

<sc_bundles>
// kernel: kernel.4.cloned.1.call-start
scs
__scs_entry_jumppad:
0x0: {  	(pc) =	sbr.rel $0x88, $3  }
0x1: {  	(tag) =	ssettag $0x0;
	lr =	simm.s32 $0x1  }
0x2: {  	[smem:$0x3F9A] =	sst lr;
	_ =	strace $0xD0000000  }
0x3: {  	_ = 	snop  }
0x4: {  	_ = 	snop  }
0x5: {  	_ = 	snop  }
0x6: {  	_ = 	snop  }
0x7: {  	_ = 	snop  }
__scs_overlays_trampoline_lowered:
0x8: {  	[smem:$0x3FA9] =	sst s0  }
0x9: {  	[smem:$0x3FAA] =	sst s1  }
0xa: {  	[smem:$0x3FAB] =	sst s2  }
0xb: {  	[smem:$0x3FAC] =	sst s3  }
0xc: {  	[smem:$0x3FAD] =	sst s4  }
0xd: {  	[smem:$0x3FAE] =	sst s5  }
0xe: {  	[smem:$0x3FAF] =	sst s6  }
0xf: {  	[smem:$0x3FB0] =	sst s7  }
0x10: {  	[smem:$0x3FB1] =	sst s8  }
0x11: {  	[smem:$0x3FB2] =	sst s9;
	s0 =	simm.s32 @!p0 $0x0  }
0x12: {  	s1 =	sld [smem:$0x3F98];
	s0 =	simm.s32 @p0 $0x1  }
0x13: {  	[smem:$0x3FB3] =	sst s0;
	s0 =	simm.s32 @!p1 $0x0  }
0x14: {  	s2 =	sld [smem:$0x3F97];
	s0 =	simm.s32 @p1 $0x1  }
0x15: {  	[smem:$0x3FB4] =	sst s0;
	s0 =	simm.s32 @!p2 $0x0  }
0x16: {  	s3 =	sld [smem:$0x3FDB];
	s0 =	simm.s32 @p2 $0x1  }
0x17: {  	s4 =	simm.s32 $0x1BF5;
	[smem:$0x3FB6] =	sst s0  }
0x18: {  	s0 =	sld [smem:$0x3F99];
	_ =	swait.ge [sflag:s4], $0x0  }
0x19: {  	s7 =	sld [smem:$0x3F9A]  }
0x1a: {  	s8 =	sadd.s32 $0xFFFFE003, lr  }
0x1b: {  	s9 =	sadd.s32 $0xFFFFFEF7, lr;
	s5 =	simm.s32 $0xFFFFFFFF;
	p2 =	slt.u32 s8, $0xFFFFF086  }
0x1c: {  	p1 =	slt.u32 s9, $0xF7A;
	s5 =	simm.s32 @!p2 $0x0  }
0x1d: {  	s5 =	simm.s32 @p1 $0x1;
	p0 =	seq.s32 s7, s2  }
0x1e: {  	s7 =	smul.u32 @!p0 $0xF7A, s2;
	p2 =	seq.s32 @!p0 s5, $0x0  }
0x1f: {  	s9 =	smul.u32 $0xF7A, s1;
	s8 =	simm.s32 @!p0 $0x1BF5;
	p2 =	por !p2, p0  }
0x20: {  	[sflag:s8] =	ssyncset.s32 @!p0 $0xFFFFF086;
	s6 =	sadd.s32 @!p0 s3, s7;
	s7 =	simm.s32 @!p0 $0x108  }
0x21: {  	s3 =	sadd.s32 s3, s9;
	s6 =	sadd.s32 @!p0 $0x88, s6;
	s7 =	simm.s32 @p2 $0x1082  }
0x22: {  	[simem:s7], [sflag:s8] =	dma.local @!p0 [hbm:s6], $0xF7A  }
0x23: {  	s9 =	sor.u32 $0xD0000000, s2;
	s6 =	simm.s32 $0x108;
	_ =	swait.ge @!p0 [sflag:s8], $0x0  }
0x24: {  	s3 =	sadd.s32 $0x88, s3;
	s6 =	simm.s32 @!p1 $0x1082;
	[sflag:s4] =	ssyncset.s32 $0xFFFFF086  }
0x25: {  	[simem:s6], [sflag:s4] =	dma.local [hbm:s3], $0xF7A  }
0x26: {  	[smem:$0x3F9A] =	sst s1;
	(tag) =	ssettag s2;
	_ =	strace s9  }
0x27: {  	s1 =	sld [smem:$0x3FAA]  }
0x28: {  	s2 =	sld [smem:$0x3FAB]  }
0x29: {  	s4 =	sld [smem:$0x3FAD]  }
0x2a: {  	p0 =	seq.s32 s5, $0x0;
	s5 =	sld [smem:$0x3FAE]  }
0x2b: {  	s6 =	sld [smem:$0x3FAF]  }
0x2c: {  	s7 =	sld [smem:$0x3FB0]  }
0x2d: {  	s3 =	simm.s32 $0x108;
	s8 =	sld [smem:$0x3FB1]  }
0x2e: {  	s3 =	simm.s32 @!p0 $0x1082;
	s9 =	sld [smem:$0x3FB2]  }
0x2f: {  	lr =	sadd.s32 s0, s3;
	s0 =	sld [smem:$0x3FA9]  }
0x30: {  	s3 =	sld [smem:$0x3FAC]  }
0x31: {  	[smem:$0x3FB5] =	sst s10  }
0x32: {  	s10 =	sld [smem:$0x3FB3];
	_ =	sdelay $0x3  }
0x33: {  	p0 =	seq.s32 s10, $0x1;
	s10 =	sld [smem:$0x3FB5];
	_ =	sdelay $0x3  }
0x34: {  	[smem:$0x3FB5] =	sst s10  }
0x35: {  	s10 =	sld [smem:$0x3FB4];
	_ =	sdelay $0x3  }
0x36: {  	p1 =	seq.s32 s10, $0x1;
	s10 =	sld [smem:$0x3FB5];
	_ =	sdelay $0x3  }
0x37: {  	[smem:$0x3FB5] =	sst s10  }
0x38: {  	s10 =	sld [smem:$0x3FB6]  }
0x39: {  	_ = 	snop;
	(pc) =	sbr.ind lr, $3  }
0x3a: {  	_ = 	snop  }
0x3b: {  	_ = 	snop  }
0x3c: {  	p2 =	seq.s32 s10, $0x1;
	s10 =	sld [smem:$0x3FB5]  }
0x3d: {  	_ =	shalt  }
0x3e: {  	_ =	shalt  }
0x3f: {  	_ =	shalt  }
0x40: {  	_ =	shalt  }
0x41: {  	_ =	shalt  }
0x42: {  	_ =	shalt  }
0x43: {  	_ =	shalt  }
0x44: {  	_ =	shalt  }
0x45: {  	_ =	shalt  }
0x46: {  	_ =	shalt  }
0x47: {  	_ =	shalt  }
0x48: {  	_ =	shalt  }
0x49: {  	_ =	shalt  }
0x4a: {  	_ =	shalt  }
0x4b: {  	_ =	shalt  }
0x4c: {  	_ =	shalt  }
0x4d: {  	_ =	shalt  }
0x4e: {  	_ =	shalt  }
0x4f: {  	_ =	shalt  }
0x50: {  	_ =	shalt  }
0x51: {  	_ =	shalt  }
0x52: {  	_ =	shalt  }
0x53: {  	_ =	shalt  }
0x54: {  	_ =	shalt  }
0x55: {  	_ =	shalt  }
0x56: {  	_ =	shalt  }
0x57: {  	_ =	shalt  }
0x58: {  	_ =	shalt  }
0x59: {  	_ =	shalt  }
0x5a: {  	_ =	shalt  }
0x5b: {  	_ =	shalt  }
0x5c: {  	_ =	shalt  }
0x5d: {  	_ =	shalt  }
0x5e: {  	_ =	shalt  }
0x5f: {  	_ =	shalt  }
0x60: {  	_ =	shalt  }
0x61: {  	_ =	shalt  }
0x62: {  	_ =	shalt  }
0x63: {  	_ =	shalt  }
0x64: {  	_ =	shalt  }
0x65: {  	_ =	shalt  }
0x66: {  	_ =	shalt  }
0x67: {  	_ =	shalt  }
0x68: {  	_ =	shalt  }
0x69: {  	_ =	shalt  }
0x6a: {  	_ =	shalt  }
0x6b: {  	_ =	shalt  }
0x6c: {  	_ =	shalt  }
0x6d: {  	_ =	shalt  }
0x6e: {  	_ =	shalt  }
0x6f: {  	_ =	shalt  }
0x70: {  	_ =	shalt  }
0x71: {  	_ =	shalt  }
0x72: {  	_ =	shalt  }
0x73: {  	_ =	shalt  }
0x74: {  	_ =	shalt  }
0x75: {  	_ =	shalt  }
0x76: {  	_ =	shalt  }
0x77: {  	_ =	shalt  }
0x78: {  	_ =	shalt  }
0x79: {  	_ =	shalt  }
0x7a: {  	_ =	shalt  }
0x7b: {  	_ =	shalt  }
0x7c: {  	_ =	shalt  }
0x7d: {  	_ =	shalt  }
0x7e: {  	_ =	shalt  }
0x7f: {  	_ =	shalt  }
0x80: {  	_ =	shalt  }
0x81: {  	_ =	shalt  }
0x82: {  	_ =	shalt  }
0x83: {  	_ =	shalt  }
0x84: {  	_ =	shalt  }
0x85: {  	_ =	shalt  }
0x86: {  	_ =	shalt  }
0x87: {  	_ =	shalt  }
.Lfunc_end0:
.L_simem_size_0:
called_computation_lowered:
.L_overlay_start_0:
0x88: {  	s0 =	sld [smem:$0x3FD9]  }
0x89: {  	s1 =	sld [smem:$0x3FFE];
	_ =	sdelay $0x3  }
0x8a: {  	s0 =	sadd.s32 s1, s0  }
0x8b: {  	[smem:$0x3FC1] =	sst s0  }
0x8c: {  	_ = 	snop  }
0x8d: {  	s0 =	sld [smem:$0x3FD0]  }
0x8e: {  	s13 =	sld [smem:$0x3FC9]  }
0x8f: {  	s2 =	sld [smem:$0x3FC8]  }
0x90: {  	s4 =	simm.s32 $0xA;
	s5 =	simm.s32 $0x10;
	s3 =	sld [smem:$0x3FC7]  }
0x91: {  	[smem:s5], [sflag:s4] =	dma.local [hbm:s0], $0x1  }
0x92: {  	_ =	swait.eq [sflag:s4], $0x1  }
0x93: {  	[sflag:s4] =	ssyncset.done $0x0  }
0x94: {  	s14 =	sld [smem:$0x10];
	[sflag:s4] =	ssyncadd.s32 $0xFFFFFFFF  }
0x95: {  	s15 =	sld [smem:$0x11];
	(tm) =	ssettm $0x1  }
0x96: {  	s16 =	sld [smem:$0x3FFB];
	_ =	sdelay $0x3  }
0x97: {  	_ =	strace s16  }
0x98: {  	s5 =	sld [smem:$0x3FFC];
	_ =	sdelay $0x3  }
0x99: {  	_ =	strace s5  }
0x9a: {  	s5 =	sld [smem:$0x3FFD];
	_ =	sdelay $0x3  }
0x9b: {  	_ =	strace s5  }
0x9c: {  	_ =	strace $0x8FFFFFFF  }
0x9d: {  	s17 =	sld [smem:$0x3FDB];
	_ =	sdelay $0x1  }
0x9e: {  	s6 =	simm.s32 $_scs_section_size  }
0x9f: {  	s7 =	simm.s32 $_size__tile_overlayer_lowered;
	s8 =	simm.s32 $_tile_overlayer_lowered  }
0xa0: {  	s20 =	simm.s32 $0x1BFF;
	s19 =	sshll.u32 s8, $0x1;
	s5 =	sadd.s32 s6, s17  }
0xa1: {  	s9 =	simm.s32 $0x0;
	s18 =	sshll.u32 s7, $0x1;
	s7 =	sadd.s32 s19, s5  }
0xa2: {  	[timem:s9], [sflag:s20] =	dma.local [hbm:s7], s18  }
0xa3: {  	_ =	swait.ge [sflag:s20], s18  }
0xa4: {  	s6 =	ssub.s32 $0x0, s18;
	[sflag:s20] =	ssyncset.done $0x0  }
0xa5: {  	[sflag:s20] =	ssyncadd.s32 s6;
	_ =	sdelay $0x1  }
0xa6: {  	s21 =	simm.s32 $0x1B8B  }
0xa7: {  	_ =	swait.ge [sflag:s21], $0x1  }
0xa8: {  	[sflag:s21] =	ssyncset.done $0x0  }
0xa9: {  	s23 =	simm.s32 $0x1B8E;
	s22 =	sld [smem:$0x3FFE];
	[sflag:s21] =	ssyncadd.s32 $0xFFFFFFFF  }
0xaa: {  	s24 =	simm.s32 $execute0_lowered;
	[smem:$0x3FD2] =	sst s23  }
0xab: {  	s7 =	sshll.u32 s24, $0x1;
	_ =	strace $0x80000046;
	[dreg:$0x1] =	wrdreg $0xFFFFFFFF  }
0xac: {  	s25 =	simm.s32 $_size_execute0_lowered;
	s5 =	sadd.s32 s5, s7;
	[dreg:$0x0] =	wrdreg $0x0  }
0xad: {  	s7 =	sshll.u32 s25, $0x1;
	[dreg:$0x2] =	wrdreg s5  }
0xae: {  	[dreg:$0x3] =	wrdreg s7  }
0xaf: {  	[dreg:$0x4] =	wrdreg $0xC0  }
0xb0: {  	_ =	task [dreg:s9], $0x5FFFF  }
0xb1: {  	[dreg:$0x1] =	wrdreg $0xFFFFFFFF  }
0xb2: {  	[dreg:$0x0] =	wrdreg $0x60  }
0xb3: {  	[dreg:$0x2] =	wrdreg s22  }
0xb4: {  	[dreg:$0x3] =	wrdreg s13  }
0xb5: {  	[dreg:$0x4] =	wrdreg s2  }
0xb6: {  	[dreg:$0x5] =	wrdreg s3  }
0xb7: {  	[dreg:$0x6] =	wrdreg s14  }
0xb8: {  	[dreg:$0x7] =	wrdreg s15  }
0xb9: {  	[dreg:$0x8] =	wrdreg $0x21000  }
0xba: {  	[dreg:$0x9] =	wrdreg $0x9  }
0xbb: {  	_ =	task.clear_ibuf [dreg:s9], $0xAFFFF;
	_ =	strace $0x90000046  }
0xbc: {  	s26 =	simm.s32 $0x9;
	_ =	strace $0x80000048  }
0xbd: {  	_ =	swait.ge [sflag:s26], $0x1  }
0xbe: {  	[sflag:s26] =	ssyncadd.s32 $0xFFFFFFFF  }
0xbf: {  	_ =	strace $0x90000048  }
0xc0: {  	_ =	sfence  }
0xc1: {  	s28 =	sld [smem:$0x0];
	_ =	sdelay $0x1  }
0xc2: {  	s29 =	srdreg.scid  }
0xc3: {  	s30 =	sshll.u32 s29, $0xD;
	s31 =	sshrl.u32 s29, $0x2  }
0xc4: {  	s1 =	sand.u32 $0x1, s29;
	s2 =	sand.u32 $0x4000, s30;
	s0 =	sadd.s32 s31, s28  }
0xc5: {  	s1 =	sor.u32 s2, s1;
	s0 =	sshll.u32 s0, $0x11  }
0xc6: {  	s0 =	sor.u32 s0, s1  }
0xc7: {  	s0 =	sadd.s32 $0x8F2B, s0  }
0xc8: {  	[sflag:s0] =	ssyncadd.remote.s32 $0x1  }
0xc9: {  	_ =	sfence.sel $0xFFFF  }
0xca: {  	[dreg:$0x0] =	wrdreg $0xFFFFFFFF;
	(pc) =	sbr.abs _section_cstart, $3  }
0xcb: {  	[dreg:$0x1] =	wrdreg $0xFFFFFFFF  }
0xcc: {  	_ =	task.clear_ibuf [dreg:s9], $0x2FFFF;
	_ =	strace $0x9FFFFFFF  }
0xcd: {  	(tm) =	ssettm $0x7FFFFFFF  }
tec
execute0_lowered:
.L_overlay_start_1:
0x0: {  	(tag) =	ssettag $0x1  }
0x1: {  	s8 =	rddreg [dreg:$0x0]  }
0x2: {  	s6 =	rddreg [dreg:$0x1]  }
0x3: {  	s7 =	rddreg [dreg:$0x2]  }
0x4: {  	s9 =	rddreg [dreg:$0x3]  }
0x5: {  	s5 =	rddreg [dreg:$0x4]  }
0x6: {  	s1 =	rddreg [dreg:$0x5]  }
0x7: {  	s2 =	rddreg [dreg:$0x6];
	s10 =	simm.s32 $0x0;
	s3 =	stileid.u32  }
0x8: {  	[smem:$0x7FF] =	sst s10;
	s4 =	sshll.u32 s3, $0x7  }
0x9: {  	s0 =	rddreg [dreg:$0x7];
	_ =	strace $0x80000047;
	s6 =	sadd.s32 s6, s4  }
0xa: {  	[tilespmem:s10], [sflag:$0x1] =	stream.linear.gather [hbm4b:s6+s10], $0x400, $0x38;
	[tilespmem:$0x2180] =	vst v63  }
0xb: {  	s11 =	simm.s32 $0x400;
	s16 =	sadd.s32 s7, s4  }
0xc: {  	[tilespmem:s11], [sflag:$0x2] =	stream.linear.gather [hbm4b:s16+s10], $0x400, $0x38;
	[tilespmem:$0x2180] =	vst v63  }
0xd: {  	s18 =	simm.s32 $0x800;
	s17 =	sadd.s32 s9, s4  }
0xe: {  	[tilespmem:s18], [sflag:$0x1] =	stream.linear.gather [hbm4b:s17+s10], $0x400, $0x38;
	[tilespmem:$0x2180] =	vst v63  }
0xf: {  	s20 =	simm.s32 $0x1800;
	s19 =	sadd.s32 $0x1200, s8;
	s6 =	simm.s32 $0x1  }
0x10: {  	[tilespmem:s20], [sflag:$0x2] =	stream.linear.gather [hbm4b:s19+s10], $0x80, $0x38;
	[tilespmem:$0x2180] =	vst v63  }
0x11: {  	_ =	swait.ge [sflag:s6], $0x400  }
0x12: {  	[sflag:s6] =	ssyncset.done $0x0  }
0x13: {  	s7 =	simm.s32 $0x2;
	[sflag:s6] =	ssyncadd.s32 $0xFFFFFC00  }
0x14: {  	_ =	swait.ge [sflag:s7], $0x400  }
0x15: {  	[sflag:s7] =	ssyncset.done $0x0  }
0x16: {  	[sflag:s7] =	ssyncadd.s32 $0xFFFFFC00  }
0x17: {  	_ =	swait.ge [sflag:s6], $0x400  }
0x18: {  	[sflag:s6] =	ssyncset.done $0x0  }
0x19: {  	[sflag:s6] =	ssyncadd.s32 $0xFFFFFC00  }
0x1a: {  	_ =	swait.ge [sflag:s7], $0x80  }
0x1b: {  	s12 =	simm.s32 $0x80;
	[sflag:s7] =	ssyncset.done $0x0  }
0x1c: {  	s13 =	simm.s32 $0xC00;
	s9 =	sadd.s32 $0x1400, s8;
	[sflag:s7] =	ssyncadd.s32 $0xFFFFFF80  }
0x1d: {  	[tilespmem:s13], [sflag:$0x1] =	stream.indirect.gather [hbm4b:s9+s12], $0x1, s10, s12, $0xb8;
	[tilespmem:$0x2180] =	vst v63  }
0x1e: {  	s21 =	simm.s32 $0x1000;
	s8 =	sadd.s32 $0x21400, s8  }
0x1f: {  	[tilespmem:s21], [sflag:$0x2] =	stream.indirect.gather [hbm4b:s8+s12], $0x1, s11, s12, $0xb8;
	[tilespmem:$0x2180] =	vst v63  }
0x20: {  	s22 =	simm.s32 $0xC80  }
0x21: {  	[tilespmem:s22], [sflag:$0x1] =	stream.indirect.gather [hbm4b:s9+s12], $0x1, s12, s12, $0xb8;
	[tilespmem:$0x2180] =	vst v63  }
0x22: {  	s23 =	simm.s32 $0x480;
	s24 =	simm.s32 $0x1080  }
0x23: {  	[tilespmem:s24], [sflag:$0x2] =	stream.indirect.gather [hbm4b:s8+s12], $0x1, s23, s12, $0xb8;
	[tilespmem:$0x2180] =	vst v63  }
0x24: {  	s25 =	simm.s32 $0x100;
	s26 =	simm.s32 $0xD00  }
0x25: {  	[tilespmem:s26], [sflag:$0x1] =	stream.indirect.gather [hbm4b:s9+s12], $0x1, s25, s12, $0xb8;
	[tilespmem:$0x2180] =	vst v63  }
0x26: {  	s28 =	simm.s32 $0x500;
	s29 =	simm.s32 $0x1100  }
0x27: {  	[tilespmem:s29], [sflag:$0x2] =	stream.indirect.gather [hbm4b:s8+s12], $0x1, s28, s12, $0xb8;
	[tilespmem:$0x2180] =	vst v63  }
0x28: {  	s30 =	simm.s32 $0x180;
	s31 =	simm.s32 $0xD80  }
0x29: {  	[tilespmem:s31], [sflag:$0x1] =	stream.indirect.gather [hbm4b:s9+s12], $0x1, s30, s12, $0xb8;
	[tilespmem:$0x2180] =	vst v63  }
0x2a: {  	s13 =	simm.s32 $0x1180;
	s11 =	simm.s32 $0x580  }
0x2b: {  	[tilespmem:s13], [sflag:$0x2] =	stream.indirect.gather [hbm4b:s8+s12], $0x1, s11, s12, $0xb8;
	[tilespmem:$0x2180] =	vst v63  }
0x2c: {  	s14 =	simm.s32 $0x200;
	s15 =	simm.s32 $0xE00  }
0x2d: {  	[tilespmem:s15], [sflag:$0x1] =	stream.indirect.gather [hbm4b:s9+s12], $0x1, s14, s12, $0xb8;
	[tilespmem:$0x2180] =	vst v63  }
0x2e: {  	s16 =	simm.s32 $0x600;
	s17 =	simm.s32 $0x1200  }
0x2f: {  	[tilespmem:s17], [sflag:$0x2] =	stream.indirect.gather [hbm4b:s8+s12], $0x1, s16, s12, $0xb8;
	[tilespmem:$0x2180] =	vst v63  }
0x30: {  	s18 =	simm.s32 $0x280;
	s19 =	simm.s32 $0xE80  }
0x31: {  	[tilespmem:s19], [sflag:$0x1] =	stream.indirect.gather [hbm4b:s9+s12], $0x1, s18, s12, $0xb8;
	[tilespmem:$0x2180] =	vst v63  }
0x32: {  	s20 =	simm.s32 $0x680;
	s21 =	simm.s32 $0x1280  }
0x33: {  	[tilespmem:s21], [sflag:$0x2] =	stream.indirect.gather [hbm4b:s8+s12], $0x1, s20, s12, $0xb8;
	[tilespmem:$0x2180] =	vst v63  }
0x34: {  	s22 =	simm.s32 $0x300;
	s23 =	simm.s32 $0xF00  }
0x35: {  	[tilespmem:s23], [sflag:$0x1] =	stream.indirect.gather [hbm4b:s9+s12], $0x1, s22, s12, $0xb8;
	[tilespmem:$0x2180] =	vst v63  }
0x36: {  	s24 =	simm.s32 $0x700;
	s25 =	simm.s32 $0x1300  }
0x37: {  	[tilespmem:s25], [sflag:$0x2] =	stream.indirect.gather [hbm4b:s8+s12], $0x1, s24, s12, $0xb8;
	[tilespmem:$0x2180] =	vst v63  }
0x38: {  	s26 =	simm.s32 $0x380;
	s28 =	simm.s32 $0xF80  }
0x39: {  	[tilespmem:s28], [sflag:$0x1] =	stream.indirect.gather [hbm4b:s9+s12], $0x1, s26, s12, $0xb8;
	[tilespmem:$0x2180] =	vst v63  }
0x3a: {  	s29 =	simm.s32 $0x780;
	s30 =	simm.s32 $0x1380  }
0x3b: {  	[tilespmem:s30], [sflag:$0x2] =	stream.indirect.gather [hbm4b:s8+s12], $0x1, s29, s12, $0xb8;
	[tilespmem:$0x2180] =	vst v63  }
0x3c: {  	_ =	swait.ge [sflag:s6], $0x80  }
0x3d: {  	[sflag:s6] =	ssyncset.done $0x0  }
0x3e: {  	[sflag:s6] =	ssyncadd.s32 $0xFFFFFF80  }
0x3f: {  	_ =	swait.ge [sflag:s7], $0x80  }
0x40: {  	[sflag:s7] =	ssyncset.done $0x0  }
0x41: {  	[sflag:s7] =	ssyncadd.s32 $0xFFFFFF80  }
0x42: {  	_ =	swait.ge [sflag:s6], $0x80  }
0x43: {  	[sflag:s6] =	ssyncset.done $0x0  }
0x44: {  	[sflag:s6] =	ssyncadd.s32 $0xFFFFFF80  }
0x45: {  	_ =	swait.ge [sflag:s7], $0x80  }
0x46: {  	[sflag:s7] =	ssyncset.done $0x0  }
0x47: {  	[sflag:s7] =	ssyncadd.s32 $0xFFFFFF80  }
0x48: {  	_ =	swait.ge [sflag:s6], $0x80  }
0x49: {  	[sflag:s6] =	ssyncset.done $0x0  }
0x4a: {  	[sflag:s6] =	ssyncadd.s32 $0xFFFFFF80  }
0x4b: {  	_ =	swait.ge [sflag:s7], $0x80  }
0x4c: {  	[sflag:s7] =	ssyncset.done $0x0  }
0x4d: {  	[sflag:s7] =	ssyncadd.s32 $0xFFFFFF80  }
0x4e: {  	_ =	swait.ge [sflag:s6], $0x80  }
0x4f: {  	[sflag:s6] =	ssyncset.done $0x0  }
0x50: {  	[sflag:s6] =	ssyncadd.s32 $0xFFFFFF80  }
0x51: {  	_ =	swait.ge [sflag:s7], $0x80  }
0x52: {  	[sflag:s7] =	ssyncset.done $0x0  }
0x53: {  	[sflag:s7] =	ssyncadd.s32 $0xFFFFFF80  }
0x54: {  	_ =	swait.ge [sflag:s6], $0x80  }
0x55: {  	[sflag:s6] =	ssyncset.done $0x0  }
0x56: {  	[sflag:s6] =	ssyncadd.s32 $0xFFFFFF80  }
0x57: {  	_ =	swait.ge [sflag:s7], $0x80  }
0x58: {  	[sflag:s7] =	ssyncset.done $0x0  }
0x59: {  	[sflag:s7] =	ssyncadd.s32 $0xFFFFFF80  }
0x5a: {  	_ =	swait.ge [sflag:s6], $0x80  }
0x5b: {  	[sflag:s6] =	ssyncset.done $0x0  }
0x5c: {  	[sflag:s6] =	ssyncadd.s32 $0xFFFFFF80  }
0x5d: {  	_ =	swait.ge [sflag:s7], $0x80  }
0x5e: {  	[sflag:s7] =	ssyncset.done $0x0  }
0x5f: {  	[sflag:s7] =	ssyncadd.s32 $0xFFFFFF80  }
0x60: {  	_ =	swait.ge [sflag:s6], $0x80  }
0x61: {  	[sflag:s6] =	ssyncset.done $0x0  }
0x62: {  	[sflag:s6] =	ssyncadd.s32 $0xFFFFFF80  }
0x63: {  	_ =	swait.ge [sflag:s7], $0x80  }
0x64: {  	[sflag:s7] =	ssyncset.done $0x0  }
0x65: {  	[sflag:s7] =	ssyncadd.s32 $0xFFFFFF80  }
0x66: {  	_ =	swait.ge [sflag:s6], $0x80  }
0x67: {  	[sflag:s6] =	ssyncset.done $0x0  }
0x68: {  	[sflag:s6] =	ssyncadd.s32 $0xFFFFFF80  }
0x69: {  	_ =	swait.ge [sflag:s7], $0x80  }
0x6a: {  	[sflag:s7] =	ssyncset.done $0x0  }
0x6b: {  	s31 =	simm.s32 $0x0;
	[sflag:s7] =	ssyncadd.s32 $0xFFFFFF80  }
0x6c: {  	v1 =	vld [tilespmem:s31+$0xC00]  }
0x6d: {  	v2 =	vld [tilespmem:s31+$0x1000];
	_ =	sdelay $0x1  }
0x6e: {  	v0 =	vld.msk [tilespmem:$0x1840 ss:$0x0], $0xffff;
	_ =	sdelay $0x1  }
0x6f: {  	s6 =	simm.s32 $0x10;
	v4 =	vld [tilespmem:s31+$0x800]  }
0x70: {  	v3 =	vld [tilespmem:s6+$0x1000];
	v1 =	vadd.f32 v2, v1  }
0x71: {  	v2 =	vld [tilespmem:s6+$0xC00]  }
0x72: {  	v5 =	vadd.f32 v1, v0;
	_ =	sdelay $0x1  }
0x73: {  	s7 =	simm.s32 $0x80;
	v1 =	vimm.f32 $0.0e+00;
	[tilespmem:s31+$0x1400] =	vst v5;
	v4 =	vsub.f32 v5, v4  }
.LBB2_1:
0x74: {  	s8 =	sshra.s32 s7, $0x2;
	v5 =	vld [tilespmem:s6+$0x800];
	p0 =	sne.s32 s7, $0xFC0  }
.Ltmp0:
0x75: {  	s7 =	sadd.s32 $0x40, s7;
	v6 =	vadd.f32 v3, v2;
	v2 =	vld [tilespmem:s8+$0xC00];
	v4 =	vmul.f32 v4, v4;
	(pc) =	sbr.rel @p0 .LBB2_1-.Ltmp0, $3  }
0x76: {  	v3 =	vld [tilespmem:s8+$0x1000]  }
0x77: {  	v6 =	vadd.f32 v6, v0;
	v1 =	vadd.f32 v4, v1;
	_ =	sdelay $0x1  }
0x78: {  	[tilespmem:s6+$0x1400] =	vst v6;
	v4 =	vsub.f32 v6, v5;
	s6 =	smov.u32 s8  }
0x79: {  	v5 =	vld [tilespmem:s6+$0x800]  }
0x7a: {  	v2 =	vadd.f32 v3, v2;
	_ =	sdelay $0x1  }
0x7b: {  	v0 =	vadd.f32 v2, v0;
	_ =	sdelay $0x1  }
0x7c: {  	v61 =	vmul.f32 v4, v4;
	v62 =	vsub.f32 v0, v5;
	_ =	sdelay $0x1  }
0x7d: {  	s5 =	sadd.s32 s5, s4;
	v1 =	vadd.f32 v61, v1;
	v63 =	vmul.f32 v62, v62  }
0x7e: {  	s28 =	simm.s32 $0x0;
	s7 =	simm.s32 $0x1400;
	s29 =	simm.s32 $0x3;
	[tilespmem:s6+$0x1400] =	vst v0  }
0x7f: {  	[hbm4b:s5+s28] =	stream.linear.scatter [tilespmem:s7], [sflag:$0x3], $0x400, $0x38;
	v0 =	vadd.f32 v63, v1;
	[tilespmem:$0x2180] =	vst v63  }
0x80: {  	_ =	swait.ge [sflag:s29], $0x400  }
0x81: {  	[sflag:s29] =	ssyncset.done $0x0;
	v0 =	vmul.f32 $6.103515630e-05, v0  }
0x82: {  	[sflag:s29] =	ssyncadd.s32 $0xFFFFFC00  }
0x83: {  	s30 =	sadd.s32 s4, s2;
	s31 =	simm.s32 $0x1880;
	[tilespmem:$0x1880] =	vst v0  }
0x84: {  	[spmem:s30] =	stream.linear.scatter [tilespmem:s31], [sflag:$0x3], $0x80, $0x38;
	[tilespmem:$0x2180] =	vst v63  }
0x85: {  	_ =	swait.ge [sflag:s29], $0x80  }
0x86: {  	[sflag:s29] =	ssyncset.done $0x0  }
0x87: {  	[sflag:s29] =	ssyncadd.s32 $0xFFFFFF80  }
0x88: {  	p0 =	sne.s32 s3, $0x0;
	[bflag:$0x0] =	sbarrier.arrive $0xFFFF  }
0x89: {  	_ =	sfence.sel @p0 $0x180000  }
0x8a: {  	[bflag:$0x0] =	sbarrier.arrive @p0 $0xFFFF  }
0x8b: {  	_ =	strace @p0 $0x90000047  }
0x8c: {  	s3 =	simm.s32 @!p0 $0x1900;
	[bflag:$0x2] =	sbarrier.arrive @p0 $0xFFFF  }
0x8d: {  	[tilespmem:s3], [sflag:$0x3] =	stream.linear.gather @!p0 [spmem:s2], $0x800, $0x38;
	[tilespmem:$0x2180] =	vst v63  }
0x8e: {  	s2 =	simm.s32 @!p0 $0x3  }
0x8f: {  	_ =	swait.ge @!p0 [sflag:s2], $0x800  }
0x90: {  	[sflag:s2] =	ssyncset.done @!p0 $0x0  }
0x91: {  	[sflag:s2] =	ssyncadd.s32 @!p0 $0xFFFFF800  }
0x92: {  	v0 =	vld @!p0 [tilespmem:$0x1900]  }
0x93: {  	v1 =	vld @!p0 [tilespmem:$0x1980];
	_ =	sdelay $0x1  }
0x94: {  	v2 =	vld @!p0 [tilespmem:$0x1A00];
	_ =	sdelay $0x1  }
0x95: {  	v3 =	vld @!p0 [tilespmem:$0x1A80]  }
0x96: {  	v0 =	vadd.f32 @!p0 v1, v0  }
0x97: {  	v1 =	vld @!p0 [tilespmem:$0x1B00]  }
0x98: {  	v0 =	vadd.f32 @!p0 v2, v0  }
0x99: {  	v2 =	vld @!p0 [tilespmem:$0x1B80]  }
0x9a: {  	v0 =	vadd.f32 @!p0 v3, v0  }
0x9b: {  	v3 =	vld @!p0 [tilespmem:$0x1C00]  }
0x9c: {  	v0 =	vadd.f32 @!p0 v1, v0  }
0x9d: {  	v1 =	vld @!p0 [tilespmem:$0x1C80]  }
0x9e: {  	v0 =	vadd.f32 @!p0 v2, v0  }
0x9f: {  	v2 =	vld @!p0 [tilespmem:$0x1D00]  }
0xa0: {  	v0 =	vadd.f32 @!p0 v3, v0  }
0xa1: {  	v3 =	vld @!p0 [tilespmem:$0x1D80]  }
0xa2: {  	v0 =	vadd.f32 @!p0 v1, v0  }
0xa3: {  	v1 =	vld @!p0 [tilespmem:$0x1E00]  }
0xa4: {  	v0 =	vadd.f32 @!p0 v2, v0  }
0xa5: {  	v2 =	vld @!p0 [tilespmem:$0x1E80]  }
0xa6: {  	v0 =	vadd.f32 @!p0 v3, v0  }
0xa7: {  	v3 =	vld @!p0 [tilespmem:$0x1F00]  }
0xa8: {  	v0 =	vadd.f32 @!p0 v1, v0  }
0xa9: {  	v1 =	vld @!p0 [tilespmem:$0x1F80]  }
0xaa: {  	v0 =	vadd.f32 @!p0 v2, v0  }
0xab: {  	v2 =	vld @!p0 [tilespmem:$0x2000]  }
0xac: {  	v0 =	vadd.f32 @!p0 v3, v0  }
0xad: {  	v3 =	vld @!p0 [tilespmem:$0x2080]  }
0xae: {  	v0 =	vadd.f32 @!p0 v1, v0;
	_ =	sdelay $0x1  }
0xaf: {  	v0 =	vadd.f32 @!p0 v2, v0;
	_ =	sdelay $0x1  }
0xb0: {  	v0 =	vadd.f32 @!p0 v3, v0;
	_ =	sdelay $0x1  }
0xb1: {  	(xrf2) =	vadd.scan.msk.f32 @!p0 $0xffff, v0;
	_ =	sdelay $0x9  }
0xb2: {  	v0, _, _ =	vpop @!p0 (xrf2)  }
0xb3: {  	v0 =	vbroadcast @!p0 v0, $0xF  }
0xb4: {  	vm0 =	vmmov @!p0 $0x1  }
0xb5: {  	v0 =	vnsel @!p0 vm0, $0x0, v0  }
0xb6: {  	s4 =	simm.s32 @!p0 $0x1880;
	s3 =	simm.s32 @!p0 $0x0;
	[tilespmem:$0x1880] =	vst @!p0 v0  }
0xb7: {  	[hbm4b:s1+s3] =	stream.linear.scatter @!p0 [tilespmem:s4], [sflag:$0x3], $0x80, $0x38;
	[tilespmem:$0x2180] =	vst v63  }
0xb8: {  	_ =	swait.ge @!p0 [sflag:s2], $0x80  }
0xb9: {  	[sflag:s2] =	ssyncset.done @!p0 $0x0  }
0xba: {  	[sflag:s2] =	ssyncadd.s32 @!p0 $0xFFFFFF80  }
0xbb: {  	_ =	sfence.sel @!p0 $0x180000  }
0xbc: {  	[bflag:$0x0] =	sbarrier.arrive @!p0 $0xFFFF  }
0xbd: {  	_ =	strace @!p0 $0x90000047  }
0xbe: {  	s0 =	sadd.s32 @!p0 $0x100000, s0;
	[bflag:$0x2] =	sbarrier.arrive @!p0 $0xFFFF  }
0xbf: {  	[sflag:s0] =	ssyncadd.tile.s32 @!p0 $0x1;
	_ =	shalt  }
.Lfunc_end2:
_tile_overlayer_lowered:
.L_overlay_start_2:
0xc0: {  	(tag) =	ssettag $0x2  }
0xc1: {  	s0 =	rddreg [dreg:$0x0];
	s2 =	stileid.u32  }
0xc2: {  	s1 =	rddreg [dreg:$0x1];
	p0 =	sne.s32 s2, $0x0  }
0xc3: {  	s3 =	rddreg [dreg:$0x2];
	[bflag:$0x3] =	sbarrier.arrive $0xFFFF;
	s2 =	simm.s32 @!p0 $0x1C03  }
0xc4: {  	[timem:s3], [sflag:s2] =	dma.local @!p0 [hbm:s0], s1  }
0xc5: {  	s0 =	simm.s32 @!p0 $0x3  }
0xc6: {  	_ =	swait.ge @!p0 [sflag:s0], s1  }
0xc7: {  	s1 =	ssub.s32 @!p0 $0x0, s1;
	[sflag:s0] =	ssyncset.done @!p0 $0x0  }
0xc8: {  	[sflag:s0] =	ssyncadd.s32 @!p0 s1  }
0xc9: {  	[bflag:$0x3] =	sbarrier.arrive $0xFFFF  }
0xca: {  	_ =	shalt  }

</sc_bundles>
